<compile_context>
chip_gen: v7x
topology: tpu7x:2x2x1
jax: 0.10.2.dev20260603
libtpu: 0.0.44.dev20260713+nightly
codegen_flags: <defaults>
</compile_context>

<pallas_src>
import functools

import jax
import jax.numpy as jnp
from jax import lax
from jax.experimental import pallas as pl
from jax.experimental.pallas import tpu as pltpu
from jax.experimental.pallas import tpu_sc as plsc

N_NODES = 10000
D = 128
NC = 2
NS = 16
NW = NC * NS
K = 128
L = 16

SP_ROWS = 10240


def _split(e):
    t = -(-e // K)
    return -(-t // (NW * 16)) * 16


def _sc_segment_sum(x, src3, dst3, ch):
    mesh = plsc.VectorSubcoreMesh(core_axis_name="c", subcore_axis_name="s",
                                  num_cores=NC, num_subcores=NS)

    hc = ch // 2

    @functools.partial(
        pl.kernel,
        out_type=jax.ShapeDtypeStruct((NC, N_NODES, D), jnp.float32),
        mesh=mesh,
        scratch_types=[
            pltpu.VMEM((hc, K), jnp.int32),
            pltpu.VMEM((hc, K), jnp.int32),
            pltpu.VMEM((K, D), jnp.float32),
            pltpu.VMEM((K, D), jnp.float32),
            pltpu.SemaphoreType.DMA,
            pltpu.SemaphoreType.DMA,
            pltpu.VMEM_SHARED((SP_ROWS, D), jnp.float32),
        ],
    )
    def k(x_hbm, src_hbm, dst_hbm, out_hbm, src_v, dst_v, rows0, rows1,
          sem0, sem1, acc_sp):
        bufs = (rows0, rows1)
        sems = (sem0, sem1)
        c = lax.axis_index("c")
        s = lax.axis_index("s")
        wid = c * NS + s

        zeros = jnp.zeros((L,), jnp.float32)

        def zbody(i, _):
            r = i // (D // L)
            col = (i % (D // L)) * L
            rows1[r, pl.ds(col, L)] = zeros
            return 0

        def zero_acc():
            lax.fori_loop(0, K * (D // L), zbody, 0)
            for j in range(SP_ROWS // (NS * K)):
                pltpu.sync_copy(
                    rows1, acc_sp.at[pl.ds(s * (SP_ROWS // NS) + j * K, K)])
            plsc.subcore_barrier()

        def gwait(b):
            pltpu.make_async_copy(x_hbm.at[pl.ds(0, K)], bufs[b],
                                  sems[b]).wait()

        with jax.named_scope("edge_loop"):
            for h in range(2):
                pltpu.sync_copy(src_hbm.at[wid, pl.ds(h * hc, hc)], src_v)
                pltpu.sync_copy(dst_hbm.at[wid, pl.ds(h * hc, hc)], dst_v)
                pltpu.async_copy(x_hbm.at[src_v.at[0]], bufs[0], sems[0])
                if h == 0:
                    zero_acc()

                def group(g, _):
                    j = g * 2
                    pltpu.async_copy(x_hbm.at[src_v.at[j + 1]], bufs[1],
                                     sems[1])
                    gwait(0)
                    pltpu.sync_copy(bufs[0], acc_sp.at[dst_v.at[j]], add=True)
                    pltpu.async_copy(x_hbm.at[src_v.at[j + 2]], bufs[0],
                                     sems[0])
                    gwait(1)
                    pltpu.sync_copy(bufs[1], acc_sp.at[dst_v.at[j + 1]],
                                    add=True)
                    return 0

                lax.fori_loop(0, hc // 2 - 1, group, 0)
                j = hc - 2
                pltpu.async_copy(x_hbm.at[src_v.at[j + 1]], bufs[1], sems[1])
                gwait(0)
                pltpu.sync_copy(bufs[0], acc_sp.at[dst_v.at[j]], add=True)
                gwait(1)
                pltpu.sync_copy(bufs[1], acc_sp.at[dst_v.at[j + 1]], add=True)
            plsc.subcore_barrier()

        with jax.named_scope("writeout"):
            rpt = (N_NODES // NS) // 8 * 8
            base = s * rpt
            pltpu.sync_copy(acc_sp.at[pl.ds(base, rpt)],
                            out_hbm.at[c, pl.ds(base, rpt)])

            @pl.when(s == NS - 1)
            def _tail():
                t0 = NS * rpt
                pltpu.sync_copy(acc_sp.at[pl.ds(t0, N_NODES - t0)],
                                out_hbm.at[c, pl.ds(t0, N_NODES - t0)])

    return k(x, src3, dst3)


def _tc_root(x, w_root_t):
    bn = 2000

    def body(x_ref, wo_ref, o_ref):
        o_ref[...] = jnp.dot(x_ref[...], wo_ref[...],
                             preferred_element_type=jnp.float32)

    return pl.pallas_call(
        body,
        grid=(N_NODES // bn,),
        in_specs=[
            pl.BlockSpec((bn, D), lambda i: (i, 0)),
            pl.BlockSpec((D, D), lambda i: (0, 0)),
        ],
        out_specs=pl.BlockSpec((bn, D), lambda i: (i, 0)),
        out_shape=jax.ShapeDtypeStruct((N_NODES, D), jnp.float32),
    )(x, w_root_t)


def _tc_combine(partials, root, w_rel_t):
    bn = 2000

    def body(p_ref, r_ref, wr_ref, o_ref):
        agg = p_ref[0] + p_ref[1]
        o_ref[...] = (
            jnp.dot(agg, wr_ref[...], preferred_element_type=jnp.float32)
            + r_ref[...]
        )

    return pl.pallas_call(
        body,
        grid=(N_NODES // bn,),
        in_specs=[
            pl.BlockSpec((NC, bn, D), lambda i: (0, i, 0)),
            pl.BlockSpec((bn, D), lambda i: (i, 0)),
            pl.BlockSpec((D, D), lambda i: (0, 0)),
        ],
        out_specs=pl.BlockSpec((bn, D), lambda i: (i, 0)),
        out_shape=jax.ShapeDtypeStruct((N_NODES, D), jnp.float32),
    )(partials, root, w_rel_t)


def kernel(x, edge_index, W_rel, W_root):
    e = edge_index.shape[1]
    src = edge_index[0].astype(jnp.int32)
    dst = edge_index[1].astype(jnp.int32)
    ch = _split(e)

    e_pad = NW * ch * K
    n_pad = e_pad - e
    pad_src = jnp.arange(n_pad, dtype=jnp.int32) % N_NODES
    pad_dst = N_NODES + jnp.arange(n_pad, dtype=jnp.int32) % (SP_ROWS - N_NODES)
    src = jnp.concatenate([src, pad_src]).reshape(NW, ch, K)
    dst = jnp.concatenate([dst, pad_dst]).reshape(NW, ch, K)

    root = _tc_root(x, W_root.T)
    partials = _sc_segment_sum(x, src, dst, ch)
    return _tc_combine(partials, root, W_rel.T)

# --- scband reference (transcript-rebuilt; emitter-appended) ---
"""Pipeline reference for scband-graph-conv-16604343566550 (READ-ONLY COPY).

The authoritative reference and input builder live on the scoring server;
editing this copy changes nothing except your own understanding.
"""

import jax, jax.numpy as jnp
import numpy as np

N_NODES = 10000
N_EDGES = 320000
D_IN = 128
D_OUT = 128

def setup_inputs(seed: int = 0) -> dict:
    key = jax.random.key(seed)
    k1, k2, k3, k4 = jax.random.split(key, 4)
    x = jax.random.normal(k1, (N_NODES, D_IN), dtype=jnp.float32)
    edge_index = jax.random.randint(k2, (2, N_EDGES), 0, N_NODES, dtype=jnp.int64)
    # PyG GraphConv params: lin_rel (applied to aggregated neighbors), lin_root (applied to self)
    scale = 1.0 / np.sqrt(D_IN)
    W_rel = jax.random.uniform(k3, (D_OUT, D_IN), dtype=jnp.float32, minval=-scale, maxval=scale)
    W_root = jax.random.uniform(k4, (D_OUT, D_IN), dtype=jnp.float32, minval=-scale, maxval=scale)
    return {"x": x, "edge_index": edge_index, "W_rel": W_rel, "W_root": W_root}

def reference(x, edge_index, W_rel, W_root):
    # PyG GraphConv (aggr='add', edge_weight=None, bias=False):
    #   out_i = W_rel @ sum_{j in N(i)} x_j + W_root @ x_i
    src = edge_index[0]
    dst = edge_index[1]
    msg = jnp.take(x, src, axis=0)                      # gather: [E, D_IN]
    agg = jax.ops.segment_sum(msg, dst, num_segments=N_NODES)  # scatter-add: [N, D_IN]
    out = agg @ W_rel.T + x @ W_root.T
    return out

if __name__ == "__main__":
    import jax
    _d = setup_inputs()
    print(jax.jit(kernel)(*tuple(_d.values())))

</pallas_src>

<mosaic_0001>
#map = affine_map<(d0, d1) -> (0, 0)>
#map1 = affine_map<(d0, d1) -> (0, 0, 0)>
module attributes {stable_mosaic.version = 14 : i64} {
  func.func @k(%arg0: i32, %arg1: i32, %arg2: memref<10000x128xf32, #tpu.memory_space<hbm>>, %arg3: memref<32x80x128xi32, #tpu.memory_space<hbm>>, %arg4: memref<32x80x128xi32, #tpu.memory_space<hbm>>, %arg5: memref<2x10000x128xf32, #tpu.memory_space<hbm>>, %arg6: memref<40x128xi32, #tpu.memory_space<vmem>>, %arg7: memref<40x128xi32, #tpu.memory_space<vmem>>, %arg8: memref<128x128xf32, #tpu.memory_space<vmem>>, %arg9: memref<128x128xf32, #tpu.memory_space<vmem>>, %arg10: memref<!tpu.dma_semaphore, #tpu.memory_space<semaphore_mem>>, %arg11: memref<!tpu.dma_semaphore, #tpu.memory_space<semaphore_mem>>, %arg12: memref<10240x128xf32, #tpu.memory_space<vmem_shared>>) attributes {dimension_semantics = [#tpu.dimension_semantics<core_parallel>, #tpu.dimension_semantics<subcore_parallel>], iteration_bounds = array<i64: 2, 16>, scalar_prefetch = 0 : i64, scratch_operands = 7 : i64, tpu.core_type = #tpu.core_type<sc_vector_subcore>, window_params = [{transform_indices = #map}, {transform_indices = #map1}, {transform_indices = #map1}, {transform_indices = #map1}]} {
    %mul3A = arith.constant 16 : i32
    %mul3A_0 = arith.muli %arg0, %mul3A : i32
    %add3A = arith.addi %mul3A_0, %arg1 : i32
    %broadcast_in_dim3A = arith.constant 0.000000e+00 : f32
    %broadcast_in_dim3A_1 = vector.broadcast %broadcast_in_dim3A : f32 to vector<16xf32>
    "tpu.trace_start"() <{level = 10 : i32, message = "edge_loop"}> : () -> ()
    "tpu.region"() ({
      %run_scoped3A_100 = tpu.sem_alloc : memref<!tpu.dma_semaphore, #tpu.memory_space<semaphore_mem>>
      %dma_start3A_101 = arith.constant 0 : i32
      %dma_start3A_102 = arith.constant 0 : i32
      %dma_start3A_103 = tpu.memref_slice %arg3[%add3A, %dma_start3A_101, %dma_start3A_102] : memref<32x80x128xi32, #tpu.memory_space<hbm>> -> memref<1x40x128xi32, #tpu.memory_space<hbm>>
      %dma_start3A_104 = tpu.memref_squeeze %dma_start3A_103 : memref<1x40x128xi32, #tpu.memory_space<hbm>> -> memref<40x128xi32, #tpu.memory_space<hbm>>
      %dma_start3A_105 = arith.constant 0 : i32
      %dma_start3A_106 = arith.constant 0 : i32
      %dma_start3A_107 = tpu.memref_slice %arg3[%add3A, %dma_start3A_105, %dma_start3A_106] : memref<32x80x128xi32, #tpu.memory_space<hbm>> -> memref<1x40x128xi32, #tpu.memory_space<hbm>>
      %dma_start3A_108 = tpu.memref_squeeze %dma_start3A_107 : memref<1x40x128xi32, #tpu.memory_space<hbm>> -> memref<40x128xi32, #tpu.memory_space<hbm>>
      tpu.enqueue_dma source(%dma_start3A_108 : memref<40x128xi32, #tpu.memory_space<hbm>>) target(%arg6 : memref<40x128xi32, #tpu.memory_space<vmem>>) target_semaphore(%run_scoped3A_100 : memref<!tpu.dma_semaphore, #tpu.memory_space<semaphore_mem>>)
      %dma_wait3A_109 = arith.constant 0 : i32
      %dma_wait3A_110 = arith.constant 0 : i32
      %dma_wait3A_111 = tpu.memref_slice %arg3[%add3A, %dma_wait3A_109, %dma_wait3A_110] : memref<32x80x128xi32, #tpu.memory_space<hbm>> -> memref<1x40x128xi32, #tpu.memory_space<hbm>>
      %dma_wait3A_112 = tpu.memref_squeeze %dma_wait3A_111 : memref<1x40x128xi32, #tpu.memory_space<hbm>> -> memref<40x128xi32, #tpu.memory_space<hbm>>
      %dma_wait3A_113 = arith.constant 0 : i32
      %dma_wait3A_114 = arith.constant 0 : i32
      %dma_wait3A_115 = tpu.memref_slice %arg3[%add3A, %dma_wait3A_113, %dma_wait3A_114] : memref<32x80x128xi32, #tpu.memory_space<hbm>> -> memref<1x40x128xi32, #tpu.memory_space<hbm>>
      %dma_wait3A_116 = tpu.memref_squeeze %dma_wait3A_115 : memref<1x40x128xi32, #tpu.memory_space<hbm>> -> memref<40x128xi32, #tpu.memory_space<hbm>>
      tpu.wait_dma2 semaphore(%run_scoped3A_100 : memref<!tpu.dma_semaphore, #tpu.memory_space<semaphore_mem>>) src(%dma_wait3A_116 : memref<40x128xi32, #tpu.memory_space<hbm>>) dst(%arg6 : memref<40x128xi32, #tpu.memory_space<vmem>>)
      tpu.yield
    }) : () -> ()
    "tpu.region"() ({
      %run_scoped3A_100 = tpu.sem_alloc : memref<!tpu.dma_semaphore, #tpu.memory_space<semaphore_mem>>
      %dma_start3A_101 = arith.constant 0 : i32
      %dma_start3A_102 = arith.constant 0 : i32
      %dma_start3A_103 = tpu.memref_slice %arg4[%add3A, %dma_start3A_101, %dma_start3A_102] : memref<32x80x128xi32, #tpu.memory_space<hbm>> -> memref<1x40x128xi32, #tpu.memory_space<hbm>>
      %dma_start3A_104 = tpu.memref_squeeze %dma_start3A_103 : memref<1x40x128xi32, #tpu.memory_space<hbm>> -> memref<40x128xi32, #tpu.memory_space<hbm>>
      %dma_start3A_105 = arith.constant 0 : i32
      %dma_start3A_106 = arith.constant 0 : i32
      %dma_start3A_107 = tpu.memref_slice %arg4[%add3A, %dma_start3A_105, %dma_start3A_106] : memref<32x80x128xi32, #tpu.memory_space<hbm>> -> memref<1x40x128xi32, #tpu.memory_space<hbm>>
      %dma_start3A_108 = tpu.memref_squeeze %dma_start3A_107 : memref<1x40x128xi32, #tpu.memory_space<hbm>> -> memref<40x128xi32, #tpu.memory_space<hbm>>
      tpu.enqueue_dma source(%dma_start3A_108 : memref<40x128xi32, #tpu.memory_space<hbm>>) target(%arg7 : memref<40x128xi32, #tpu.memory_space<vmem>>) target_semaphore(%run_scoped3A_100 : memref<!tpu.dma_semaphore, #tpu.memory_space<semaphore_mem>>)
      %dma_wait3A_109 = arith.constant 0 : i32
      %dma_wait3A_110 = arith.constant 0 : i32
      %dma_wait3A_111 = tpu.memref_slice %arg4[%add3A, %dma_wait3A_109, %dma_wait3A_110] : memref<32x80x128xi32, #tpu.memory_space<hbm>> -> memref<1x40x128xi32, #tpu.memory_space<hbm>>
      %dma_wait3A_112 = tpu.memref_squeeze %dma_wait3A_111 : memref<1x40x128xi32, #tpu.memory_space<hbm>> -> memref<40x128xi32, #tpu.memory_space<hbm>>
      %dma_wait3A_113 = arith.constant 0 : i32
      %dma_wait3A_114 = arith.constant 0 : i32
      %dma_wait3A_115 = tpu.memref_slice %arg4[%add3A, %dma_wait3A_113, %dma_wait3A_114] : memref<32x80x128xi32, #tpu.memory_space<hbm>> -> memref<1x40x128xi32, #tpu.memory_space<hbm>>
      %dma_wait3A_116 = tpu.memref_squeeze %dma_wait3A_115 : memref<1x40x128xi32, #tpu.memory_space<hbm>> -> memref<40x128xi32, #tpu.memory_space<hbm>>
      tpu.wait_dma2 semaphore(%run_scoped3A_100 : memref<!tpu.dma_semaphore, #tpu.memory_space<semaphore_mem>>) src(%dma_wait3A_116 : memref<40x128xi32, #tpu.memory_space<hbm>>) dst(%arg7 : memref<40x128xi32, #tpu.memory_space<vmem>>)
      tpu.yield
    }) : () -> ()
    %dma_start3A = arith.constant 0 : i32
    %dma_start3A_2 = arith.constant 0 : i32
    %dma_start3A_3 = tpu.memref_slice %arg6[%dma_start3A, %dma_start3A_2] : memref<40x128xi32, #tpu.memory_space<vmem>> -> memref<1x128xi32, #tpu.memory_space<vmem>>
    %dma_start3A_4 = tpu.memref_squeeze %dma_start3A_3 : memref<1x128xi32, #tpu.memory_space<vmem>> -> memref<128xi32, #tpu.memory_space<vmem>>
    %dma_start3A_5 = arith.constant 0 : i32
    %dma_start3A_6 = arith.constant 0 : i32
    %dma_start3A_7 = tpu.memref_slice %arg2[%dma_start3A_5, %dma_start3A_6] : memref<10000x128xf32, #tpu.memory_space<hbm>> -> memref<10000x128xf32, #tpu.memory_space<hbm>>
    tpu.enqueue_indirect_dma source(%dma_start3A_7 : memref<10000x128xf32, #tpu.memory_space<hbm>>) target(%arg8 : memref<128x128xf32, #tpu.memory_space<vmem>>) offsets(%dma_start3A_4 : memref<128xi32, #tpu.memory_space<vmem>>) semaphore(%arg10 : memref<!tpu.dma_semaphore, #tpu.memory_space<semaphore_mem>>)
    %scan3A = arith.constant 0 : i32
    %scan3A_8 = arith.constant 0 : i32
    %scan3A_9 = arith.constant 1024 : i32
    %scan3A_10 = arith.addi %scan3A_8, %scan3A_9 : i32
    %scan3A_11 = arith.constant 1 : i32
    %scan3A_12 = scf.for %scan3A_100 = %scan3A_8 to %scan3A_10 step %scan3A_11 iter_args(%scan3A_101 = %scan3A) -> (i32)  : i32 {
      %jit3A = arith.constant 8 : i32
      %div3A = arith.divsi %scan3A_100, %jit3A : i32
      %sign3A = arith.constant 0 : i32
      %sign3A_102 = arith.cmpi sgt, %scan3A_100, %sign3A : i32
      %sign3A_103 = arith.extui %sign3A_102 : i1 to i32
      %sign3A_104 = arith.constant 0 : i32
      %sign3A_105 = arith.cmpi slt, %scan3A_100, %sign3A_104 : i32
      %sign3A_106 = arith.extui %sign3A_105 : i1 to i32
      %sign3A_107 = arith.subi %sign3A_103, %sign3A_106 : i32
      %sign3A_108 = arith.constant 0 : i32
      %sign3A_109 = arith.cmpi sgt, %jit3A, %sign3A_108 : i32
      %sign3A_110 = arith.extui %sign3A_109 : i1 to i32
      %sign3A_111 = arith.constant 0 : i32
      %sign3A_112 = arith.cmpi slt, %jit3A, %sign3A_111 : i32
      %sign3A_113 = arith.extui %sign3A_112 : i1 to i32
      %sign3A_114 = arith.subi %sign3A_110, %sign3A_113 : i32
      %ne3A = arith.cmpi ne, %sign3A_107, %sign3A_114 : i32
      %rem3A = arith.remsi %scan3A_100, %jit3A : i32
      %ne3A_115 = arith.constant 0 : i32
      %ne3A_116 = arith.cmpi ne, %rem3A, %ne3A_115 : i32
      %and3A = arith.andi %ne3A, %ne3A_116 : i1
      %sub3A = arith.constant 1 : i32
      %sub3A_117 = arith.subi %div3A, %sub3A : i32
      %select_n3A = arith.select %and3A, %sub3A_117, %div3A : i32
      %jit3A_118 = arith.constant 8 : i32
      %eq3A_119 = arith.constant 0 : i32
      %eq3A_120 = arith.cmpi eq, %jit3A_118, %eq3A_119 : i32
      %jit3A_121 = arith.constant 1 : i32
      %select_n3A_122 = arith.select %eq3A_120, %jit3A_121, %jit3A_118 : i32
      %rem3A_123 = arith.remsi %scan3A_100, %select_n3A_122 : i32
      %ne3A_124 = arith.constant 0 : i32
      %ne3A_125 = arith.cmpi ne, %rem3A_123, %ne3A_124 : i32
      %lt3A = arith.constant 0 : i32
      %lt3A_126 = arith.cmpi slt, %rem3A_123, %lt3A : i32
      %lt3A_127 = arith.constant 0 : i32
      %lt3A_128 = arith.cmpi slt, %select_n3A_122, %lt3A_127 : i32
      %ne3A_129 = arith.xori %lt3A_126, %lt3A_128 : i1
      %and3A_130 = arith.andi %ne3A_129, %ne3A_125 : i1
      %add3A_131 = arith.addi %rem3A_123, %select_n3A_122 : i32
      %select_n3A_132 = arith.select %and3A_130, %add3A_131, %rem3A_123 : i32
      %mul3A_133 = arith.constant 16 : i32
      %mul3A_134 = arith.muli %select_n3A_132, %mul3A_133 : i32
      %swap3A = arith.index_cast %select_n3A : i32 to index
      %swap3A_135 = arith.index_cast %mul3A_134 : i32 to index
      %swap3A_136 = tpu.vector_load %arg9[%swap3A, %swap3A_135] {strides = array<i32>} : memref<128x128xf32, #tpu.memory_space<vmem>>, vector<1x16xf32>,
      %swap3A_137 = vector.shape_cast %swap3A_136 : vector<1x16xf32> to vector<16xf32>
      %swap3A_138 = vector.shape_cast %broadcast_in_dim3A_1 : vector<16xf32> to vector<1x16xf32>
      tpu.vector_store %arg9[%swap3A, %swap3A_135], %swap3A_138 {strides = array<i32>} : memref<128x128xf32, #tpu.memory_space<vmem>>, vector<1x16xf32>,
      %scan3A_139 = arith.constant 0 : i32
      scf.yield %scan3A_139 : i32
    }
    %scan3A_13 = arith.constant 1024 : i32
    %mul3A_14 = arith.constant 640 : i32
    %mul3A_15 = arith.muli %arg1, %mul3A_14 : i32
    %add3A_16 = arith.constant 0 : i32
    %add3A_17 = arith.addi %mul3A_15, %add3A_16 : i32
    "tpu.region"() ({
      %run_scoped3A_100 = tpu.sem_alloc : memref<!tpu.dma_semaphore, #tpu.memory_space<semaphore_mem>>
      %dma_start3A_101 = arith.constant 0 : i32
      %dma_start3A_102 = tpu.memref_slice %arg12[%add3A_17, %dma_start3A_101] : memref<10240x128xf32, #tpu.memory_space<vmem_shared>> -> memref<128x128xf32, #tpu.memory_space<vmem_shared>>
      %dma_start3A_103 = arith.constant 0 : i32
      %dma_start3A_104 = tpu.memref_slice %arg12[%add3A_17, %dma_start3A_103] : memref<10240x128xf32, #tpu.memory_space<vmem_shared>> -> memref<128x128xf32, #tpu.memory_space<vmem_shared>>
      tpu.enqueue_dma source(%arg9 : memref<128x128xf32, #tpu.memory_space<vmem>>) target(%dma_start3A_104 : memref<128x128xf32, #tpu.memory_space<vmem_shared>>) target_semaphore(%run_scoped3A_100 : memref<!tpu.dma_semaphore, #tpu.memory_space<semaphore_mem>>)
      %dma_wait3A_105 = arith.constant 0 : i32
      %dma_wait3A_106 = tpu.memref_slice %arg12[%add3A_17, %dma_wait3A_105] : memref<10240x128xf32, #tpu.memory_space<vmem_shared>> -> memref<128x128xf32, #tpu.memory_space<vmem_shared>>
      %dma_wait3A_107 = arith.constant 0 : i32
      %dma_wait3A_108 = tpu.memref_slice %arg12[%add3A_17, %dma_wait3A_107] : memref<10240x128xf32, #tpu.memory_space<vmem_shared>> -> memref<128x128xf32, #tpu.memory_space<vmem_shared>>
      tpu.wait_dma2 semaphore(%run_scoped3A_100 : memref<!tpu.dma_semaphore, #tpu.memory_space<semaphore_mem>>) src(%arg9 : memref<128x128xf32, #tpu.memory_space<vmem>>) dst(%dma_wait3A_108 : memref<128x128xf32, #tpu.memory_space<vmem_shared>>)
      tpu.yield
    }) : () -> ()
    %mul3A_18 = arith.constant 640 : i32
    %mul3A_19 = arith.muli %arg1, %mul3A_18 : i32
    %add3A_20 = arith.constant 128 : i32
    %add3A_21 = arith.addi %mul3A_19, %add3A_20 : i32
    "tpu.region"() ({
      %run_scoped3A_100 = tpu.sem_alloc : memref<!tpu.dma_semaphore, #tpu.memory_space<semaphore_mem>>
      %dma_start3A_101 = arith.constant 0 : i32
      %dma_start3A_102 = tpu.memref_slice %arg12[%add3A_21, %dma_start3A_101] : memref<10240x128xf32, #tpu.memory_space<vmem_shared>> -> memref<128x128xf32, #tpu.memory_space<vmem_shared>>
      %dma_start3A_103 = arith.constant 0 : i32
      %dma_start3A_104 = tpu.memref_slice %arg12[%add3A_21, %dma_start3A_103] : memref<10240x128xf32, #tpu.memory_space<vmem_shared>> -> memref<128x128xf32, #tpu.memory_space<vmem_shared>>
      tpu.enqueue_dma source(%arg9 : memref<128x128xf32, #tpu.memory_space<vmem>>) target(%dma_start3A_104 : memref<128x128xf32, #tpu.memory_space<vmem_shared>>) target_semaphore(%run_scoped3A_100 : memref<!tpu.dma_semaphore, #tpu.memory_space<semaphore_mem>>)
      %dma_wait3A_105 = arith.constant 0 : i32
      %dma_wait3A_106 = tpu.memref_slice %arg12[%add3A_21, %dma_wait3A_105] : memref<10240x128xf32, #tpu.memory_space<vmem_shared>> -> memref<128x128xf32, #tpu.memory_space<vmem_shared>>
      %dma_wait3A_107 = arith.constant 0 : i32
      %dma_wait3A_108 = tpu.memref_slice %arg12[%add3A_21, %dma_wait3A_107] : memref<10240x128xf32, #tpu.memory_space<vmem_shared>> -> memref<128x128xf32, #tpu.memory_space<vmem_shared>>
      tpu.wait_dma2 semaphore(%run_scoped3A_100 : memref<!tpu.dma_semaphore, #tpu.memory_space<semaphore_mem>>) src(%arg9 : memref<128x128xf32, #tpu.memory_space<vmem>>) dst(%dma_wait3A_108 : memref<128x128xf32, #tpu.memory_space<vmem_shared>>)
      tpu.yield
    }) : () -> ()
    %mul3A_22 = arith.constant 640 : i32
    %mul3A_23 = arith.muli %arg1, %mul3A_22 : i32
    %add3A_24 = arith.constant 256 : i32
    %add3A_25 = arith.addi %mul3A_23, %add3A_24 : i32
    "tpu.region"() ({
      %run_scoped3A_100 = tpu.sem_alloc : memref<!tpu.dma_semaphore, #tpu.memory_space<semaphore_mem>>
      %dma_start3A_101 = arith.constant 0 : i32
      %dma_start3A_102 = tpu.memref_slice %arg12[%add3A_25, %dma_start3A_101] : memref<10240x128xf32, #tpu.memory_space<vmem_shared>> -> memref<128x128xf32, #tpu.memory_space<vmem_shared>>
      %dma_start3A_103 = arith.constant 0 : i32
      %dma_start3A_104 = tpu.memref_slice %arg12[%add3A_25, %dma_start3A_103] : memref<10240x128xf32, #tpu.memory_space<vmem_shared>> -> memref<128x128xf32, #tpu.memory_space<vmem_shared>>
      tpu.enqueue_dma source(%arg9 : memref<128x128xf32, #tpu.memory_space<vmem>>) target(%dma_start3A_104 : memref<128x128xf32, #tpu.memory_space<vmem_shared>>) target_semaphore(%run_scoped3A_100 : memref<!tpu.dma_semaphore, #tpu.memory_space<semaphore_mem>>)
      %dma_wait3A_105 = arith.constant 0 : i32
      %dma_wait3A_106 = tpu.memref_slice %arg12[%add3A_25, %dma_wait3A_105] : memref<10240x128xf32, #tpu.memory_space<vmem_shared>> -> memref<128x128xf32, #tpu.memory_space<vmem_shared>>
      %dma_wait3A_107 = arith.constant 0 : i32
      %dma_wait3A_108 = tpu.memref_slice %arg12[%add3A_25, %dma_wait3A_107] : memref<10240x128xf32, #tpu.memory_space<vmem_shared>> -> memref<128x128xf32, #tpu.memory_space<vmem_shared>>
      tpu.wait_dma2 semaphore(%run_scoped3A_100 : memref<!tpu.dma_semaphore, #tpu.memory_space<semaphore_mem>>) src(%arg9 : memref<128x128xf32, #tpu.memory_space<vmem>>) dst(%dma_wait3A_108 : memref<128x128xf32, #tpu.memory_space<vmem_shared>>)
      tpu.yield
    }) : () -> ()
    %mul3A_26 = arith.constant 640 : i32
    %mul3A_27 = arith.muli %arg1, %mul3A_26 : i32
    %add3A_28 = arith.constant 384 : i32
    %add3A_29 = arith.addi %mul3A_27, %add3A_28 : i32
    "tpu.region"() ({
      %run_scoped3A_100 = tpu.sem_alloc : memref<!tpu.dma_semaphore, #tpu.memory_space<semaphore_mem>>
      %dma_start3A_101 = arith.constant 0 : i32
      %dma_start3A_102 = tpu.memref_slice %arg12[%add3A_29, %dma_start3A_101] : memref<10240x128xf32, #tpu.memory_space<vmem_shared>> -> memref<128x128xf32, #tpu.memory_space<vmem_shared>>
      %dma_start3A_103 = arith.constant 0 : i32
      %dma_start3A_104 = tpu.memref_slice %arg12[%add3A_29, %dma_start3A_103] : memref<10240x128xf32, #tpu.memory_space<vmem_shared>> -> memref<128x128xf32, #tpu.memory_space<vmem_shared>>
      tpu.enqueue_dma source(%arg9 : memref<128x128xf32, #tpu.memory_space<vmem>>) target(%dma_start3A_104 : memref<128x128xf32, #tpu.memory_space<vmem_shared>>) target_semaphore(%run_scoped3A_100 : memref<!tpu.dma_semaphore, #tpu.memory_space<semaphore_mem>>)
      %dma_wait3A_105 = arith.constant 0 : i32
      %dma_wait3A_106 = tpu.memref_slice %arg12[%add3A_29, %dma_wait3A_105] : memref<10240x128xf32, #tpu.memory_space<vmem_shared>> -> memref<128x128xf32, #tpu.memory_space<vmem_shared>>
      %dma_wait3A_107 = arith.constant 0 : i32
      %dma_wait3A_108 = tpu.memref_slice %arg12[%add3A_29, %dma_wait3A_107] : memref<10240x128xf32, #tpu.memory_space<vmem_shared>> -> memref<128x128xf32, #tpu.memory_space<vmem_shared>>
      tpu.wait_dma2 semaphore(%run_scoped3A_100 : memref<!tpu.dma_semaphore, #tpu.memory_space<semaphore_mem>>) src(%arg9 : memref<128x128xf32, #tpu.memory_space<vmem>>) dst(%dma_wait3A_108 : memref<128x128xf32, #tpu.memory_space<vmem_shared>>)
      tpu.yield
    }) : () -> ()
    %mul3A_30 = arith.constant 640 : i32
    %mul3A_31 = arith.muli %arg1, %mul3A_30 : i32
    %add3A_32 = arith.constant 512 : i32
    %add3A_33 = arith.addi %mul3A_31, %add3A_32 : i32
    "tpu.region"() ({
      %run_scoped3A_100 = tpu.sem_alloc : memref<!tpu.dma_semaphore, #tpu.memory_space<semaphore_mem>>
      %dma_start3A_101 = arith.constant 0 : i32
      %dma_start3A_102 = tpu.memref_slice %arg12[%add3A_33, %dma_start3A_101] : memref<10240x128xf32, #tpu.memory_space<vmem_shared>> -> memref<128x128xf32, #tpu.memory_space<vmem_shared>>
      %dma_start3A_103 = arith.constant 0 : i32
      %dma_start3A_104 = tpu.memref_slice %arg12[%add3A_33, %dma_start3A_103] : memref<10240x128xf32, #tpu.memory_space<vmem_shared>> -> memref<128x128xf32, #tpu.memory_space<vmem_shared>>
      tpu.enqueue_dma source(%arg9 : memref<128x128xf32, #tpu.memory_space<vmem>>) target(%dma_start3A_104 : memref<128x128xf32, #tpu.memory_space<vmem_shared>>) target_semaphore(%run_scoped3A_100 : memref<!tpu.dma_semaphore, #tpu.memory_space<semaphore_mem>>)
      %dma_wait3A_105 = arith.constant 0 : i32
      %dma_wait3A_106 = tpu.memref_slice %arg12[%add3A_33, %dma_wait3A_105] : memref<10240x128xf32, #tpu.memory_space<vmem_shared>> -> memref<128x128xf32, #tpu.memory_space<vmem_shared>>
      %dma_wait3A_107 = arith.constant 0 : i32
      %dma_wait3A_108 = tpu.memref_slice %arg12[%add3A_33, %dma_wait3A_107] : memref<10240x128xf32, #tpu.memory_space<vmem_shared>> -> memref<128x128xf32, #tpu.memory_space<vmem_shared>>
      tpu.wait_dma2 semaphore(%run_scoped3A_100 : memref<!tpu.dma_semaphore, #tpu.memory_space<semaphore_mem>>) src(%arg9 : memref<128x128xf32, #tpu.memory_space<vmem>>) dst(%dma_wait3A_108 : memref<128x128xf32, #tpu.memory_space<vmem_shared>>)
      tpu.yield
    }) : () -> ()
    %barrier3A = arith.constant 0 : index
    tpu.barrier barrier_id(%barrier3A)
    %scan3A_34 = arith.constant 0 : i32
    %scan3A_35 = arith.constant 0 : i32
    %scan3A_36 = arith.constant 19 : i32
    %scan3A_37 = arith.addi %scan3A_35, %scan3A_36 : i32
    %scan3A_38 = arith.constant 1 : i32
    %scan3A_39 = scf.for %scan3A_100 = %scan3A_35 to %scan3A_37 step %scan3A_38 iter_args(%scan3A_101 = %scan3A_34) -> (i32)  : i32 {
      %mul3A_102 = arith.constant 2 : i32
      %mul3A_103 = arith.muli %scan3A_100, %mul3A_102 : i32
      %add3A_104 = arith.constant 1 : i32
      %add3A_105 = arith.addi %mul3A_103, %add3A_104 : i32
      %dma_start3A_106 = arith.constant 0 : i32
      %dma_start3A_107 = tpu.memref_slice %arg6[%add3A_105, %dma_start3A_106] : memref<40x128xi32, #tpu.memory_space<vmem>> -> memref<1x128xi32, #tpu.memory_space<vmem>>
      %dma_start3A_108 = tpu.memref_squeeze %dma_start3A_107 : memref<1x128xi32, #tpu.memory_space<vmem>> -> memref<128xi32, #tpu.memory_space<vmem>>
      %dma_start3A_109 = arith.constant 0 : i32
      %dma_start3A_110 = arith.constant 0 : i32
      %dma_start3A_111 = tpu.memref_slice %arg2[%dma_start3A_109, %dma_start3A_110] : memref<10000x128xf32, #tpu.memory_space<hbm>> -> memref<10000x128xf32, #tpu.memory_space<hbm>>
      tpu.enqueue_indirect_dma source(%dma_start3A_111 : memref<10000x128xf32, #tpu.memory_space<hbm>>) target(%arg9 : memref<128x128xf32, #tpu.memory_space<vmem>>) offsets(%dma_start3A_108 : memref<128xi32, #tpu.memory_space<vmem>>) semaphore(%arg11 : memref<!tpu.dma_semaphore, #tpu.memory_space<semaphore_mem>>)
      %dma_wait3A_112 = arith.constant 0 : i32
      %dma_wait3A_113 = arith.constant 0 : i32
      %dma_wait3A_114 = tpu.memref_slice %arg2[%dma_wait3A_112, %dma_wait3A_113] : memref<10000x128xf32, #tpu.memory_space<hbm>> -> memref<128x128xf32, #tpu.memory_space<hbm>>
      %dma_wait3A_115 = arith.constant 0 : i32
      %dma_wait3A_116 = arith.constant 0 : i32
      %dma_wait3A_117 = tpu.memref_slice %arg2[%dma_wait3A_115, %dma_wait3A_116] : memref<10000x128xf32, #tpu.memory_space<hbm>> -> memref<128x128xf32, #tpu.memory_space<hbm>>
      tpu.wait_dma2 semaphore(%arg10 : memref<!tpu.dma_semaphore, #tpu.memory_space<semaphore_mem>>) src(%dma_wait3A_117 : memref<128x128xf32, #tpu.memory_space<hbm>>) dst(%arg8 : memref<128x128xf32, #tpu.memory_space<vmem>>)
      "tpu.region"() ({
        %run_scoped3A_135 = tpu.sem_alloc : memref<!tpu.dma_semaphore, #tpu.memory_space<semaphore_mem>>
        %dma_start3A_136 = arith.constant 0 : i32
        %dma_start3A_137 = tpu.memref_slice %arg7[%mul3A_103, %dma_start3A_136] : memref<40x128xi32, #tpu.memory_space<vmem>> -> memref<1x128xi32, #tpu.memory_space<vmem>>
        %dma_start3A_138 = tpu.memref_squeeze %dma_start3A_137 : memref<1x128xi32, #tpu.memory_space<vmem>> -> memref<128xi32, #tpu.memory_space<vmem>>
        %dma_start3A_139 = arith.constant 0 : i32
        %dma_start3A_140 = arith.constant 0 : i32
        %dma_start3A_141 = tpu.memref_slice %arg12[%dma_start3A_139, %dma_start3A_140] : memref<10240x128xf32, #tpu.memory_space<vmem_shared>> -> memref<10240x128xf32, #tpu.memory_space<vmem_shared>>
        tpu.enqueue_indirect_dma source(%arg8 : memref<128x128xf32, #tpu.memory_space<vmem>>) target(%dma_start3A_141 : memref<10240x128xf32, #tpu.memory_space<vmem_shared>>) offsets(%dma_start3A_138 : memref<128xi32, #tpu.memory_space<vmem>>) semaphore(%run_scoped3A_135 : memref<!tpu.dma_semaphore, #tpu.memory_space<semaphore_mem>>) {add = true}
        %dma_wait3A_142 = arith.constant 0 : i32
        %dma_wait3A_143 = tpu.memref_slice %arg7[%mul3A_103, %dma_wait3A_142] : memref<40x128xi32, #tpu.memory_space<vmem>> -> memref<1x128xi32, #tpu.memory_space<vmem>>
        %dma_wait3A_144 = tpu.memref_squeeze %dma_wait3A_143 : memref<1x128xi32, #tpu.memory_space<vmem>> -> memref<128xi32, #tpu.memory_space<vmem>>
        %dma_wait3A_145 = arith.constant 0 : i32
        %dma_wait3A_146 = arith.constant 0 : i32
        %dma_wait3A_147 = tpu.memref_slice %arg12[%dma_wait3A_145, %dma_wait3A_146] : memref<10240x128xf32, #tpu.memory_space<vmem_shared>> -> memref<10240x128xf32, #tpu.memory_space<vmem_shared>>
        tpu.wait_indirect_dma semaphore(%run_scoped3A_135 : memref<!tpu.dma_semaphore, #tpu.memory_space<semaphore_mem>>) src(%arg8 : memref<128x128xf32, #tpu.memory_space<vmem>>) dst(%dma_wait3A_147 : memref<10240x128xf32, #tpu.memory_space<vmem_shared>>)
        tpu.yield
      }) : () -> ()
      %add3A_118 = arith.constant 2 : i32
      %add3A_119 = arith.addi %mul3A_103, %add3A_118 : i32
      %dma_start3A_120 = arith.constant 0 : i32
      %dma_start3A_121 = tpu.memref_slice %arg6[%add3A_119, %dma_start3A_120] : memref<40x128xi32, #tpu.memory_space<vmem>> -> memref<1x128xi32, #tpu.memory_space<vmem>>
      %dma_start3A_122 = tpu.memref_squeeze %dma_start3A_121 : memref<1x128xi32, #tpu.memory_space<vmem>> -> memref<128xi32, #tpu.memory_space<vmem>>
      %dma_start3A_123 = arith.constant 0 : i32
      %dma_start3A_124 = arith.constant 0 : i32
      %dma_start3A_125 = tpu.memref_slice %arg2[%dma_start3A_123, %dma_start3A_124] : memref<10000x128xf32, #tpu.memory_space<hbm>> -> memref<10000x128xf32, #tpu.memory_space<hbm>>
      tpu.enqueue_indirect_dma source(%dma_start3A_125 : memref<10000x128xf32, #tpu.memory_space<hbm>>) target(%arg8 : memref<128x128xf32, #tpu.memory_space<vmem>>) offsets(%dma_start3A_122 : memref<128xi32, #tpu.memory_space<vmem>>) semaphore(%arg10 : memref<!tpu.dma_semaphore, #tpu.memory_space<semaphore_mem>>)
      %dma_wait3A_126 = arith.constant 0 : i32
      %dma_wait3A_127 = arith.constant 0 : i32
      %dma_wait3A_128 = tpu.memref_slice %arg2[%dma_wait3A_126, %dma_wait3A_127] : memref<10000x128xf32, #tpu.memory_space<hbm>> -> memref<128x128xf32, #tpu.memory_space<hbm>>
      %dma_wait3A_129 = arith.constant 0 : i32
      %dma_wait3A_130 = arith.constant 0 : i32
      %dma_wait3A_131 = tpu.memref_slice %arg2[%dma_wait3A_129, %dma_wait3A_130] : memref<10000x128xf32, #tpu.memory_space<hbm>> -> memref<128x128xf32, #tpu.memory_space<hbm>>
      tpu.wait_dma2 semaphore(%arg11 : memref<!tpu.dma_semaphore, #tpu.memory_space<semaphore_mem>>) src(%dma_wait3A_131 : memref<128x128xf32, #tpu.memory_space<hbm>>) dst(%arg9 : memref<128x128xf32, #tpu.memory_space<vmem>>)
      %add3A_132 = arith.constant 1 : i32
      %add3A_133 = arith.addi %mul3A_103, %add3A_132 : i32
      "tpu.region"() ({
        %run_scoped3A_135 = tpu.sem_alloc : memref<!tpu.dma_semaphore, #tpu.memory_space<semaphore_mem>>
        %dma_start3A_136 = arith.constant 0 : i32
        %dma_start3A_137 = tpu.memref_slice %arg7[%add3A_133, %dma_start3A_136] : memref<40x128xi32, #tpu.memory_space<vmem>> -> memref<1x128xi32, #tpu.memory_space<vmem>>
        %dma_start3A_138 = tpu.memref_squeeze %dma_start3A_137 : memref<1x128xi32, #tpu.memory_space<vmem>> -> memref<128xi32, #tpu.memory_space<vmem>>
        %dma_start3A_139 = arith.constant 0 : i32
        %dma_start3A_140 = arith.constant 0 : i32
        %dma_start3A_141 = tpu.memref_slice %arg12[%dma_start3A_139, %dma_start3A_140] : memref<10240x128xf32, #tpu.memory_space<vmem_shared>> -> memref<10240x128xf32, #tpu.memory_space<vmem_shared>>
        tpu.enqueue_indirect_dma source(%arg9 : memref<128x128xf32, #tpu.memory_space<vmem>>) target(%dma_start3A_141 : memref<10240x128xf32, #tpu.memory_space<vmem_shared>>) offsets(%dma_start3A_138 : memref<128xi32, #tpu.memory_space<vmem>>) semaphore(%run_scoped3A_135 : memref<!tpu.dma_semaphore, #tpu.memory_space<semaphore_mem>>) {add = true}
        %dma_wait3A_142 = arith.constant 0 : i32
        %dma_wait3A_143 = tpu.memref_slice %arg7[%add3A_133, %dma_wait3A_142] : memref<40x128xi32, #tpu.memory_space<vmem>> -> memref<1x128xi32, #tpu.memory_space<vmem>>
        %dma_wait3A_144 = tpu.memref_squeeze %dma_wait3A_143 : memref<1x128xi32, #tpu.memory_space<vmem>> -> memref<128xi32, #tpu.memory_space<vmem>>
        %dma_wait3A_145 = arith.constant 0 : i32
        %dma_wait3A_146 = arith.constant 0 : i32
        %dma_wait3A_147 = tpu.memref_slice %arg12[%dma_wait3A_145, %dma_wait3A_146] : memref<10240x128xf32, #tpu.memory_space<vmem_shared>> -> memref<10240x128xf32, #tpu.memory_space<vmem_shared>>
        tpu.wait_indirect_dma semaphore(%run_scoped3A_135 : memref<!tpu.dma_semaphore, #tpu.memory_space<semaphore_mem>>) src(%arg9 : memref<128x128xf32, #tpu.memory_space<vmem>>) dst(%dma_wait3A_147 : memref<10240x128xf32, #tpu.memory_space<vmem_shared>>)
        tpu.yield
      }) : () -> ()
      %scan3A_134 = arith.constant 0 : i32
      scf.yield %scan3A_134 : i32
    }
    %scan3A_40 = arith.constant 19 : i32
    %dma_start3A_41 = arith.constant 39 : i32
    %dma_start3A_42 = arith.constant 0 : i32
    %dma_start3A_43 = tpu.memref_slice %arg6[%dma_start3A_41, %dma_start3A_42] : memref<40x128xi32, #tpu.memory_space<vmem>> -> memref<1x128xi32, #tpu.memory_space<vmem>>
    %dma_start3A_44 = tpu.memref_squeeze %dma_start3A_43 : memref<1x128xi32, #tpu.memory_space<vmem>> -> memref<128xi32, #tpu.memory_space<vmem>>
    %dma_start3A_45 = arith.constant 0 : i32
    %dma_start3A_46 = arith.constant 0 : i32
    %dma_start3A_47 = tpu.memref_slice %arg2[%dma_start3A_45, %dma_start3A_46] : memref<10000x128xf32, #tpu.memory_space<hbm>> -> memref<10000x128xf32, #tpu.memory_space<hbm>>
    tpu.enqueue_indirect_dma source(%dma_start3A_47 : memref<10000x128xf32, #tpu.memory_space<hbm>>) target(%arg9 : memref<128x128xf32, #tpu.memory_space<vmem>>) offsets(%dma_start3A_44 : memref<128xi32, #tpu.memory_space<vmem>>) semaphore(%arg11 : memref<!tpu.dma_semaphore, #tpu.memory_space<semaphore_mem>>)
    %dma_wait3A = arith.constant 0 : i32
    %dma_wait3A_48 = arith.constant 0 : i32
    %dma_wait3A_49 = tpu.memref_slice %arg2[%dma_wait3A, %dma_wait3A_48] : memref<10000x128xf32, #tpu.memory_space<hbm>> -> memref<128x128xf32, #tpu.memory_space<hbm>>
    %dma_wait3A_50 = arith.constant 0 : i32
    %dma_wait3A_51 = arith.constant 0 : i32
    %dma_wait3A_52 = tpu.memref_slice %arg2[%dma_wait3A_50, %dma_wait3A_51] : memref<10000x128xf32, #tpu.memory_space<hbm>> -> memref<128x128xf32, #tpu.memory_space<hbm>>
    tpu.wait_dma2 semaphore(%arg10 : memref<!tpu.dma_semaphore, #tpu.memory_space<semaphore_mem>>) src(%dma_wait3A_52 : memref<128x128xf32, #tpu.memory_space<hbm>>) dst(%arg8 : memref<128x128xf32, #tpu.memory_space<vmem>>)
    %run_scoped3A = arith.constant 38 : i32
    "tpu.region"() ({
      %run_scoped3A_100 = tpu.sem_alloc : memref<!tpu.dma_semaphore, #tpu.memory_space<semaphore_mem>>
      %dma_start3A_101 = arith.constant 0 : i32
      %dma_start3A_102 = tpu.memref_slice %arg7[%run_scoped3A, %dma_start3A_101] : memref<40x128xi32, #tpu.memory_space<vmem>> -> memref<1x128xi32, #tpu.memory_space<vmem>>
      %dma_start3A_103 = tpu.memref_squeeze %dma_start3A_102 : memref<1x128xi32, #tpu.memory_space<vmem>> -> memref<128xi32, #tpu.memory_space<vmem>>
      %dma_start3A_104 = arith.constant 0 : i32
      %dma_start3A_105 = arith.constant 0 : i32
      %dma_start3A_106 = tpu.memref_slice %arg12[%dma_start3A_104, %dma_start3A_105] : memref<10240x128xf32, #tpu.memory_space<vmem_shared>> -> memref<10240x128xf32, #tpu.memory_space<vmem_shared>>
      tpu.enqueue_indirect_dma source(%arg8 : memref<128x128xf32, #tpu.memory_space<vmem>>) target(%dma_start3A_106 : memref<10240x128xf32, #tpu.memory_space<vmem_shared>>) offsets(%dma_start3A_103 : memref<128xi32, #tpu.memory_space<vmem>>) semaphore(%run_scoped3A_100 : memref<!tpu.dma_semaphore, #tpu.memory_space<semaphore_mem>>) {add = true}
      %dma_wait3A_107 = arith.constant 0 : i32
      %dma_wait3A_108 = tpu.memref_slice %arg7[%run_scoped3A, %dma_wait3A_107] : memref<40x128xi32, #tpu.memory_space<vmem>> -> memref<1x128xi32, #tpu.memory_space<vmem>>
      %dma_wait3A_109 = tpu.memref_squeeze %dma_wait3A_108 : memref<1x128xi32, #tpu.memory_space<vmem>> -> memref<128xi32, #tpu.memory_space<vmem>>
      %dma_wait3A_110 = arith.constant 0 : i32
      %dma_wait3A_111 = arith.constant 0 : i32
      %dma_wait3A_112 = tpu.memref_slice %arg12[%dma_wait3A_110, %dma_wait3A_111] : memref<10240x128xf32, #tpu.memory_space<vmem_shared>> -> memref<10240x128xf32, #tpu.memory_space<vmem_shared>>
      tpu.wait_indirect_dma semaphore(%run_scoped3A_100 : memref<!tpu.dma_semaphore, #tpu.memory_space<semaphore_mem>>) src(%arg8 : memref<128x128xf32, #tpu.memory_space<vmem>>) dst(%dma_wait3A_112 : memref<10240x128xf32, #tpu.memory_space<vmem_shared>>)
      tpu.yield
    }) : () -> ()
    %dma_wait3A_53 = arith.constant 0 : i32
    %dma_wait3A_54 = arith.constant 0 : i32
    %dma_wait3A_55 = tpu.memref_slice %arg2[%dma_wait3A_53, %dma_wait3A_54] : memref<10000x128xf32, #tpu.memory_space<hbm>> -> memref<128x128xf32, #tpu.memory_space<hbm>>
    %dma_wait3A_56 = arith.constant 0 : i32
    %dma_wait3A_57 = arith.constant 0 : i32
    %dma_wait3A_58 = tpu.memref_slice %arg2[%dma_wait3A_56, %dma_wait3A_57] : memref<10000x128xf32, #tpu.memory_space<hbm>> -> memref<128x128xf32, #tpu.memory_space<hbm>>
    tpu.wait_dma2 semaphore(%arg11 : memref<!tpu.dma_semaphore, #tpu.memory_space<semaphore_mem>>) src(%dma_wait3A_58 : memref<128x128xf32, #tpu.memory_space<hbm>>) dst(%arg9 : memref<128x128xf32, #tpu.memory_space<vmem>>)
    %run_scoped3A_59 = arith.constant 39 : i32
    "tpu.region"() ({
      %run_scoped3A_100 = tpu.sem_alloc : memref<!tpu.dma_semaphore, #tpu.memory_space<semaphore_mem>>
      %dma_start3A_101 = arith.constant 0 : i32
      %dma_start3A_102 = tpu.memref_slice %arg7[%run_scoped3A_59, %dma_start3A_101] : memref<40x128xi32, #tpu.memory_space<vmem>> -> memref<1x128xi32, #tpu.memory_space<vmem>>
      %dma_start3A_103 = tpu.memref_squeeze %dma_start3A_102 : memref<1x128xi32, #tpu.memory_space<vmem>> -> memref<128xi32, #tpu.memory_space<vmem>>
      %dma_start3A_104 = arith.constant 0 : i32
      %dma_start3A_105 = arith.constant 0 : i32
      %dma_start3A_106 = tpu.memref_slice %arg12[%dma_start3A_104, %dma_start3A_105] : memref<10240x128xf32, #tpu.memory_space<vmem_shared>> -> memref<10240x128xf32, #tpu.memory_space<vmem_shared>>
      tpu.enqueue_indirect_dma source(%arg9 : memref<128x128xf32, #tpu.memory_space<vmem>>) target(%dma_start3A_106 : memref<10240x128xf32, #tpu.memory_space<vmem_shared>>) offsets(%dma_start3A_103 : memref<128xi32, #tpu.memory_space<vmem>>) semaphore(%run_scoped3A_100 : memref<!tpu.dma_semaphore, #tpu.memory_space<semaphore_mem>>) {add = true}
      %dma_wait3A_107 = arith.constant 0 : i32
      %dma_wait3A_108 = tpu.memref_slice %arg7[%run_scoped3A_59, %dma_wait3A_107] : memref<40x128xi32, #tpu.memory_space<vmem>> -> memref<1x128xi32, #tpu.memory_space<vmem>>
      %dma_wait3A_109 = tpu.memref_squeeze %dma_wait3A_108 : memref<1x128xi32, #tpu.memory_space<vmem>> -> memref<128xi32, #tpu.memory_space<vmem>>
      %dma_wait3A_110 = arith.constant 0 : i32
      %dma_wait3A_111 = arith.constant 0 : i32
      %dma_wait3A_112 = tpu.memref_slice %arg12[%dma_wait3A_110, %dma_wait3A_111] : memref<10240x128xf32, #tpu.memory_space<vmem_shared>> -> memref<10240x128xf32, #tpu.memory_space<vmem_shared>>
      tpu.wait_indirect_dma semaphore(%run_scoped3A_100 : memref<!tpu.dma_semaphore, #tpu.memory_space<semaphore_mem>>) src(%arg9 : memref<128x128xf32, #tpu.memory_space<vmem>>) dst(%dma_wait3A_112 : memref<10240x128xf32, #tpu.memory_space<vmem_shared>>)
      tpu.yield
    }) : () -> ()
    "tpu.region"() ({
      %run_scoped3A_100 = tpu.sem_alloc : memref<!tpu.dma_semaphore, #tpu.memory_space<semaphore_mem>>
      %dma_start3A_101 = arith.constant 40 : i32
      %dma_start3A_102 = arith.constant 0 : i32
      %dma_start3A_103 = tpu.memref_slice %arg3[%add3A, %dma_start3A_101, %dma_start3A_102] : memref<32x80x128xi32, #tpu.memory_space<hbm>> -> memref<1x40x128xi32, #tpu.memory_space<hbm>>
      %dma_start3A_104 = tpu.memref_squeeze %dma_start3A_103 : memref<1x40x128xi32, #tpu.memory_space<hbm>> -> memref<40x128xi32, #tpu.memory_space<hbm>>
      %dma_start3A_105 = arith.constant 40 : i32
      %dma_start3A_106 = arith.constant 0 : i32
      %dma_start3A_107 = tpu.memref_slice %arg3[%add3A, %dma_start3A_105, %dma_start3A_106] : memref<32x80x128xi32, #tpu.memory_space<hbm>> -> memref<1x40x128xi32, #tpu.memory_space<hbm>>
      %dma_start3A_108 = tpu.memref_squeeze %dma_start3A_107 : memref<1x40x128xi32, #tpu.memory_space<hbm>> -> memref<40x128xi32, #tpu.memory_space<hbm>>
      tpu.enqueue_dma source(%dma_start3A_108 : memref<40x128xi32, #tpu.memory_space<hbm>>) target(%arg6 : memref<40x128xi32, #tpu.memory_space<vmem>>) target_semaphore(%run_scoped3A_100 : memref<!tpu.dma_semaphore, #tpu.memory_space<semaphore_mem>>)
      %dma_wait3A_109 = arith.constant 40 : i32
      %dma_wait3A_110 = arith.constant 0 : i32
      %dma_wait3A_111 = tpu.memref_slice %arg3[%add3A, %dma_wait3A_109, %dma_wait3A_110] : memref<32x80x128xi32, #tpu.memory_space<hbm>> -> memref<1x40x128xi32, #tpu.memory_space<hbm>>
      %dma_wait3A_112 = tpu.memref_squeeze %dma_wait3A_111 : memref<1x40x128xi32, #tpu.memory_space<hbm>> -> memref<40x128xi32, #tpu.memory_space<hbm>>
      %dma_wait3A_113 = arith.constant 40 : i32
      %dma_wait3A_114 = arith.constant 0 : i32
      %dma_wait3A_115 = tpu.memref_slice %arg3[%add3A, %dma_wait3A_113, %dma_wait3A_114] : memref<32x80x128xi32, #tpu.memory_space<hbm>> -> memref<1x40x128xi32, #tpu.memory_space<hbm>>
      %dma_wait3A_116 = tpu.memref_squeeze %dma_wait3A_115 : memref<1x40x128xi32, #tpu.memory_space<hbm>> -> memref<40x128xi32, #tpu.memory_space<hbm>>
      tpu.wait_dma2 semaphore(%run_scoped3A_100 : memref<!tpu.dma_semaphore, #tpu.memory_space<semaphore_mem>>) src(%dma_wait3A_116 : memref<40x128xi32, #tpu.memory_space<hbm>>) dst(%arg6 : memref<40x128xi32, #tpu.memory_space<vmem>>)
      tpu.yield
    }) : () -> ()
    "tpu.region"() ({
      %run_scoped3A_100 = tpu.sem_alloc : memref<!tpu.dma_semaphore, #tpu.memory_space<semaphore_mem>>
      %dma_start3A_101 = arith.constant 40 : i32
      %dma_start3A_102 = arith.constant 0 : i32
      %dma_start3A_103 = tpu.memref_slice %arg4[%add3A, %dma_start3A_101, %dma_start3A_102] : memref<32x80x128xi32, #tpu.memory_space<hbm>> -> memref<1x40x128xi32, #tpu.memory_space<hbm>>
      %dma_start3A_104 = tpu.memref_squeeze %dma_start3A_103 : memref<1x40x128xi32, #tpu.memory_space<hbm>> -> memref<40x128xi32, #tpu.memory_space<hbm>>
      %dma_start3A_105 = arith.constant 40 : i32
      %dma_start3A_106 = arith.constant 0 : i32
      %dma_start3A_107 = tpu.memref_slice %arg4[%add3A, %dma_start3A_105, %dma_start3A_106] : memref<32x80x128xi32, #tpu.memory_space<hbm>> -> memref<1x40x128xi32, #tpu.memory_space<hbm>>
      %dma_start3A_108 = tpu.memref_squeeze %dma_start3A_107 : memref<1x40x128xi32, #tpu.memory_space<hbm>> -> memref<40x128xi32, #tpu.memory_space<hbm>>
      tpu.enqueue_dma source(%dma_start3A_108 : memref<40x128xi32, #tpu.memory_space<hbm>>) target(%arg7 : memref<40x128xi32, #tpu.memory_space<vmem>>) target_semaphore(%run_scoped3A_100 : memref<!tpu.dma_semaphore, #tpu.memory_space<semaphore_mem>>)
      %dma_wait3A_109 = arith.constant 40 : i32
      %dma_wait3A_110 = arith.constant 0 : i32
      %dma_wait3A_111 = tpu.memref_slice %arg4[%add3A, %dma_wait3A_109, %dma_wait3A_110] : memref<32x80x128xi32, #tpu.memory_space<hbm>> -> memref<1x40x128xi32, #tpu.memory_space<hbm>>
      %dma_wait3A_112 = tpu.memref_squeeze %dma_wait3A_111 : memref<1x40x128xi32, #tpu.memory_space<hbm>> -> memref<40x128xi32, #tpu.memory_space<hbm>>
      %dma_wait3A_113 = arith.constant 40 : i32
      %dma_wait3A_114 = arith.constant 0 : i32
      %dma_wait3A_115 = tpu.memref_slice %arg4[%add3A, %dma_wait3A_113, %dma_wait3A_114] : memref<32x80x128xi32, #tpu.memory_space<hbm>> -> memref<1x40x128xi32, #tpu.memory_space<hbm>>
      %dma_wait3A_116 = tpu.memref_squeeze %dma_wait3A_115 : memref<1x40x128xi32, #tpu.memory_space<hbm>> -> memref<40x128xi32, #tpu.memory_space<hbm>>
      tpu.wait_dma2 semaphore(%run_scoped3A_100 : memref<!tpu.dma_semaphore, #tpu.memory_space<semaphore_mem>>) src(%dma_wait3A_116 : memref<40x128xi32, #tpu.memory_space<hbm>>) dst(%arg7 : memref<40x128xi32, #tpu.memory_space<vmem>>)
      tpu.yield
    }) : () -> ()
    %dma_start3A_60 = arith.constant 0 : i32
    %dma_start3A_61 = arith.constant 0 : i32
    %dma_start3A_62 = tpu.memref_slice %arg6[%dma_start3A_60, %dma_start3A_61] : memref<40x128xi32, #tpu.memory_space<vmem>> -> memref<1x128xi32, #tpu.memory_space<vmem>>
    %dma_start3A_63 = tpu.memref_squeeze %dma_start3A_62 : memref<1x128xi32, #tpu.memory_space<vmem>> -> memref<128xi32, #tpu.memory_space<vmem>>
    %dma_start3A_64 = arith.constant 0 : i32
    %dma_start3A_65 = arith.constant 0 : i32
    %dma_start3A_66 = tpu.memref_slice %arg2[%dma_start3A_64, %dma_start3A_65] : memref<10000x128xf32, #tpu.memory_space<hbm>> -> memref<10000x128xf32, #tpu.memory_space<hbm>>
    tpu.enqueue_indirect_dma source(%dma_start3A_66 : memref<10000x128xf32, #tpu.memory_space<hbm>>) target(%arg8 : memref<128x128xf32, #tpu.memory_space<vmem>>) offsets(%dma_start3A_63 : memref<128xi32, #tpu.memory_space<vmem>>) semaphore(%arg10 : memref<!tpu.dma_semaphore, #tpu.memory_space<semaphore_mem>>)
    %scan3A_67 = arith.constant 0 : i32
    %scan3A_68 = arith.constant 0 : i32
    %scan3A_69 = arith.constant 19 : i32
    %scan3A_70 = arith.addi %scan3A_68, %scan3A_69 : i32
    %scan3A_71 = arith.constant 1 : i32
    %scan3A_72 = scf.for %scan3A_100 = %scan3A_68 to %scan3A_70 step %scan3A_71 iter_args(%scan3A_101 = %scan3A_67) -> (i32)  : i32 {
      %mul3A_102 = arith.constant 2 : i32
      %mul3A_103 = arith.muli %scan3A_100, %mul3A_102 : i32
      %add3A_104 = arith.constant 1 : i32
      %add3A_105 = arith.addi %mul3A_103, %add3A_104 : i32
      %dma_start3A_106 = arith.constant 0 : i32
      %dma_start3A_107 = tpu.memref_slice %arg6[%add3A_105, %dma_start3A_106] : memref<40x128xi32, #tpu.memory_space<vmem>> -> memref<1x128xi32, #tpu.memory_space<vmem>>
      %dma_start3A_108 = tpu.memref_squeeze %dma_start3A_107 : memref<1x128xi32, #tpu.memory_space<vmem>> -> memref<128xi32, #tpu.memory_space<vmem>>
      %dma_start3A_109 = arith.constant 0 : i32
      %dma_start3A_110 = arith.constant 0 : i32
      %dma_start3A_111 = tpu.memref_slice %arg2[%dma_start3A_109, %dma_start3A_110] : memref<10000x128xf32, #tpu.memory_space<hbm>> -> memref<10000x128xf32, #tpu.memory_space<hbm>>
      tpu.enqueue_indirect_dma source(%dma_start3A_111 : memref<10000x128xf32, #tpu.memory_space<hbm>>) target(%arg9 : memref<128x128xf32, #tpu.memory_space<vmem>>) offsets(%dma_start3A_108 : memref<128xi32, #tpu.memory_space<vmem>>) semaphore(%arg11 : memref<!tpu.dma_semaphore, #tpu.memory_space<semaphore_mem>>)
      %dma_wait3A_112 = arith.constant 0 : i32
      %dma_wait3A_113 = arith.constant 0 : i32
      %dma_wait3A_114 = tpu.memref_slice %arg2[%dma_wait3A_112, %dma_wait3A_113] : memref<10000x128xf32, #tpu.memory_space<hbm>> -> memref<128x128xf32, #tpu.memory_space<hbm>>
      %dma_wait3A_115 = arith.constant 0 : i32
      %dma_wait3A_116 = arith.constant 0 : i32
      %dma_wait3A_117 = tpu.memref_slice %arg2[%dma_wait3A_115, %dma_wait3A_116] : memref<10000x128xf32, #tpu.memory_space<hbm>> -> memref<128x128xf32, #tpu.memory_space<hbm>>
      tpu.wait_dma2 semaphore(%arg10 : memref<!tpu.dma_semaphore, #tpu.memory_space<semaphore_mem>>) src(%dma_wait3A_117 : memref<128x128xf32, #tpu.memory_space<hbm>>) dst(%arg8 : memref<128x128xf32, #tpu.memory_space<vmem>>)
      "tpu.region"() ({
        %run_scoped3A_135 = tpu.sem_alloc : memref<!tpu.dma_semaphore, #tpu.memory_space<semaphore_mem>>
        %dma_start3A_136 = arith.constant 0 : i32
        %dma_start3A_137 = tpu.memref_slice %arg7[%mul3A_103, %dma_start3A_136] : memref<40x128xi32, #tpu.memory_space<vmem>> -> memref<1x128xi32, #tpu.memory_space<vmem>>
        %dma_start3A_138 = tpu.memref_squeeze %dma_start3A_137 : memref<1x128xi32, #tpu.memory_space<vmem>> -> memref<128xi32, #tpu.memory_space<vmem>>
        %dma_start3A_139 = arith.constant 0 : i32
        %dma_start3A_140 = arith.constant 0 : i32
        %dma_start3A_141 = tpu.memref_slice %arg12[%dma_start3A_139, %dma_start3A_140] : memref<10240x128xf32, #tpu.memory_space<vmem_shared>> -> memref<10240x128xf32, #tpu.memory_space<vmem_shared>>
        tpu.enqueue_indirect_dma source(%arg8 : memref<128x128xf32, #tpu.memory_space<vmem>>) target(%dma_start3A_141 : memref<10240x128xf32, #tpu.memory_space<vmem_shared>>) offsets(%dma_start3A_138 : memref<128xi32, #tpu.memory_space<vmem>>) semaphore(%run_scoped3A_135 : memref<!tpu.dma_semaphore, #tpu.memory_space<semaphore_mem>>) {add = true}
        %dma_wait3A_142 = arith.constant 0 : i32
        %dma_wait3A_143 = tpu.memref_slice %arg7[%mul3A_103, %dma_wait3A_142] : memref<40x128xi32, #tpu.memory_space<vmem>> -> memref<1x128xi32, #tpu.memory_space<vmem>>
        %dma_wait3A_144 = tpu.memref_squeeze %dma_wait3A_143 : memref<1x128xi32, #tpu.memory_space<vmem>> -> memref<128xi32, #tpu.memory_space<vmem>>
        %dma_wait3A_145 = arith.constant 0 : i32
        %dma_wait3A_146 = arith.constant 0 : i32
        %dma_wait3A_147 = tpu.memref_slice %arg12[%dma_wait3A_145, %dma_wait3A_146] : memref<10240x128xf32, #tpu.memory_space<vmem_shared>> -> memref<10240x128xf32, #tpu.memory_space<vmem_shared>>
        tpu.wait_indirect_dma semaphore(%run_scoped3A_135 : memref<!tpu.dma_semaphore, #tpu.memory_space<semaphore_mem>>) src(%arg8 : memref<128x128xf32, #tpu.memory_space<vmem>>) dst(%dma_wait3A_147 : memref<10240x128xf32, #tpu.memory_space<vmem_shared>>)
        tpu.yield
      }) : () -> ()
      %add3A_118 = arith.constant 2 : i32
      %add3A_119 = arith.addi %mul3A_103, %add3A_118 : i32
      %dma_start3A_120 = arith.constant 0 : i32
      %dma_start3A_121 = tpu.memref_slice %arg6[%add3A_119, %dma_start3A_120] : memref<40x128xi32, #tpu.memory_space<vmem>> -> memref<1x128xi32, #tpu.memory_space<vmem>>
      %dma_start3A_122 = tpu.memref_squeeze %dma_start3A_121 : memref<1x128xi32, #tpu.memory_space<vmem>> -> memref<128xi32, #tpu.memory_space<vmem>>
      %dma_start3A_123 = arith.constant 0 : i32
      %dma_start3A_124 = arith.constant 0 : i32
      %dma_start3A_125 = tpu.memref_slice %arg2[%dma_start3A_123, %dma_start3A_124] : memref<10000x128xf32, #tpu.memory_space<hbm>> -> memref<10000x128xf32, #tpu.memory_space<hbm>>
      tpu.enqueue_indirect_dma source(%dma_start3A_125 : memref<10000x128xf32, #tpu.memory_space<hbm>>) target(%arg8 : memref<128x128xf32, #tpu.memory_space<vmem>>) offsets(%dma_start3A_122 : memref<128xi32, #tpu.memory_space<vmem>>) semaphore(%arg10 : memref<!tpu.dma_semaphore, #tpu.memory_space<semaphore_mem>>)
      %dma_wait3A_126 = arith.constant 0 : i32
      %dma_wait3A_127 = arith.constant 0 : i32
      %dma_wait3A_128 = tpu.memref_slice %arg2[%dma_wait3A_126, %dma_wait3A_127] : memref<10000x128xf32, #tpu.memory_space<hbm>> -> memref<128x128xf32, #tpu.memory_space<hbm>>
      %dma_wait3A_129 = arith.constant 0 : i32
      %dma_wait3A_130 = arith.constant 0 : i32
      %dma_wait3A_131 = tpu.memref_slice %arg2[%dma_wait3A_129, %dma_wait3A_130] : memref<10000x128xf32, #tpu.memory_space<hbm>> -> memref<128x128xf32, #tpu.memory_space<hbm>>
      tpu.wait_dma2 semaphore(%arg11 : memref<!tpu.dma_semaphore, #tpu.memory_space<semaphore_mem>>) src(%dma_wait3A_131 : memref<128x128xf32, #tpu.memory_space<hbm>>) dst(%arg9 : memref<128x128xf32, #tpu.memory_space<vmem>>)
      %add3A_132 = arith.constant 1 : i32
      %add3A_133 = arith.addi %mul3A_103, %add3A_132 : i32
      "tpu.region"() ({
        %run_scoped3A_135 = tpu.sem_alloc : memref<!tpu.dma_semaphore, #tpu.memory_space<semaphore_mem>>
        %dma_start3A_136 = arith.constant 0 : i32
        %dma_start3A_137 = tpu.memref_slice %arg7[%add3A_133, %dma_start3A_136] : memref<40x128xi32, #tpu.memory_space<vmem>> -> memref<1x128xi32, #tpu.memory_space<vmem>>
        %dma_start3A_138 = tpu.memref_squeeze %dma_start3A_137 : memref<1x128xi32, #tpu.memory_space<vmem>> -> memref<128xi32, #tpu.memory_space<vmem>>
        %dma_start3A_139 = arith.constant 0 : i32
        %dma_start3A_140 = arith.constant 0 : i32
        %dma_start3A_141 = tpu.memref_slice %arg12[%dma_start3A_139, %dma_start3A_140] : memref<10240x128xf32, #tpu.memory_space<vmem_shared>> -> memref<10240x128xf32, #tpu.memory_space<vmem_shared>>
        tpu.enqueue_indirect_dma source(%arg9 : memref<128x128xf32, #tpu.memory_space<vmem>>) target(%dma_start3A_141 : memref<10240x128xf32, #tpu.memory_space<vmem_shared>>) offsets(%dma_start3A_138 : memref<128xi32, #tpu.memory_space<vmem>>) semaphore(%run_scoped3A_135 : memref<!tpu.dma_semaphore, #tpu.memory_space<semaphore_mem>>) {add = true}
        %dma_wait3A_142 = arith.constant 0 : i32
        %dma_wait3A_143 = tpu.memref_slice %arg7[%add3A_133, %dma_wait3A_142] : memref<40x128xi32, #tpu.memory_space<vmem>> -> memref<1x128xi32, #tpu.memory_space<vmem>>
        %dma_wait3A_144 = tpu.memref_squeeze %dma_wait3A_143 : memref<1x128xi32, #tpu.memory_space<vmem>> -> memref<128xi32, #tpu.memory_space<vmem>>
        %dma_wait3A_145 = arith.constant 0 : i32
        %dma_wait3A_146 = arith.constant 0 : i32
        %dma_wait3A_147 = tpu.memref_slice %arg12[%dma_wait3A_145, %dma_wait3A_146] : memref<10240x128xf32, #tpu.memory_space<vmem_shared>> -> memref<10240x128xf32, #tpu.memory_space<vmem_shared>>
        tpu.wait_indirect_dma semaphore(%run_scoped3A_135 : memref<!tpu.dma_semaphore, #tpu.memory_space<semaphore_mem>>) src(%arg9 : memref<128x128xf32, #tpu.memory_space<vmem>>) dst(%dma_wait3A_147 : memref<10240x128xf32, #tpu.memory_space<vmem_shared>>)
        tpu.yield
      }) : () -> ()
      %scan3A_134 = arith.constant 0 : i32
      scf.yield %scan3A_134 : i32
    }
    %scan3A_73 = arith.constant 19 : i32
    %dma_start3A_74 = arith.constant 39 : i32
    %dma_start3A_75 = arith.constant 0 : i32
    %dma_start3A_76 = tpu.memref_slice %arg6[%dma_start3A_74, %dma_start3A_75] : memref<40x128xi32, #tpu.memory_space<vmem>> -> memref<1x128xi32, #tpu.memory_space<vmem>>
    %dma_start3A_77 = tpu.memref_squeeze %dma_start3A_76 : memref<1x128xi32, #tpu.memory_space<vmem>> -> memref<128xi32, #tpu.memory_space<vmem>>
    %dma_start3A_78 = arith.constant 0 : i32
    %dma_start3A_79 = arith.constant 0 : i32
    %dma_start3A_80 = tpu.memref_slice %arg2[%dma_start3A_78, %dma_start3A_79] : memref<10000x128xf32, #tpu.memory_space<hbm>> -> memref<10000x128xf32, #tpu.memory_space<hbm>>
    tpu.enqueue_indirect_dma source(%dma_start3A_80 : memref<10000x128xf32, #tpu.memory_space<hbm>>) target(%arg9 : memref<128x128xf32, #tpu.memory_space<vmem>>) offsets(%dma_start3A_77 : memref<128xi32, #tpu.memory_space<vmem>>) semaphore(%arg11 : memref<!tpu.dma_semaphore, #tpu.memory_space<semaphore_mem>>)
    %dma_wait3A_81 = arith.constant 0 : i32
    %dma_wait3A_82 = arith.constant 0 : i32
    %dma_wait3A_83 = tpu.memref_slice %arg2[%dma_wait3A_81, %dma_wait3A_82] : memref<10000x128xf32, #tpu.memory_space<hbm>> -> memref<128x128xf32, #tpu.memory_space<hbm>>
    %dma_wait3A_84 = arith.constant 0 : i32
    %dma_wait3A_85 = arith.constant 0 : i32
    %dma_wait3A_86 = tpu.memref_slice %arg2[%dma_wait3A_84, %dma_wait3A_85] : memref<10000x128xf32, #tpu.memory_space<hbm>> -> memref<128x128xf32, #tpu.memory_space<hbm>>
    tpu.wait_dma2 semaphore(%arg10 : memref<!tpu.dma_semaphore, #tpu.memory_space<semaphore_mem>>) src(%dma_wait3A_86 : memref<128x128xf32, #tpu.memory_space<hbm>>) dst(%arg8 : memref<128x128xf32, #tpu.memory_space<vmem>>)
    %run_scoped3A_87 = arith.constant 38 : i32
    "tpu.region"() ({
      %run_scoped3A_100 = tpu.sem_alloc : memref<!tpu.dma_semaphore, #tpu.memory_space<semaphore_mem>>
      %dma_start3A_101 = arith.constant 0 : i32
      %dma_start3A_102 = tpu.memref_slice %arg7[%run_scoped3A_87, %dma_start3A_101] : memref<40x128xi32, #tpu.memory_space<vmem>> -> memref<1x128xi32, #tpu.memory_space<vmem>>
      %dma_start3A_103 = tpu.memref_squeeze %dma_start3A_102 : memref<1x128xi32, #tpu.memory_space<vmem>> -> memref<128xi32, #tpu.memory_space<vmem>>
      %dma_start3A_104 = arith.constant 0 : i32
      %dma_start3A_105 = arith.constant 0 : i32
      %dma_start3A_106 = tpu.memref_slice %arg12[%dma_start3A_104, %dma_start3A_105] : memref<10240x128xf32, #tpu.memory_space<vmem_shared>> -> memref<10240x128xf32, #tpu.memory_space<vmem_shared>>
      tpu.enqueue_indirect_dma source(%arg8 : memref<128x128xf32, #tpu.memory_space<vmem>>) target(%dma_start3A_106 : memref<10240x128xf32, #tpu.memory_space<vmem_shared>>) offsets(%dma_start3A_103 : memref<128xi32, #tpu.memory_space<vmem>>) semaphore(%run_scoped3A_100 : memref<!tpu.dma_semaphore, #tpu.memory_space<semaphore_mem>>) {add = true}
      %dma_wait3A_107 = arith.constant 0 : i32
      %dma_wait3A_108 = tpu.memref_slice %arg7[%run_scoped3A_87, %dma_wait3A_107] : memref<40x128xi32, #tpu.memory_space<vmem>> -> memref<1x128xi32, #tpu.memory_space<vmem>>
      %dma_wait3A_109 = tpu.memref_squeeze %dma_wait3A_108 : memref<1x128xi32, #tpu.memory_space<vmem>> -> memref<128xi32, #tpu.memory_space<vmem>>
      %dma_wait3A_110 = arith.constant 0 : i32
      %dma_wait3A_111 = arith.constant 0 : i32
      %dma_wait3A_112 = tpu.memref_slice %arg12[%dma_wait3A_110, %dma_wait3A_111] : memref<10240x128xf32, #tpu.memory_space<vmem_shared>> -> memref<10240x128xf32, #tpu.memory_space<vmem_shared>>
      tpu.wait_indirect_dma semaphore(%run_scoped3A_100 : memref<!tpu.dma_semaphore, #tpu.memory_space<semaphore_mem>>) src(%arg8 : memref<128x128xf32, #tpu.memory_space<vmem>>) dst(%dma_wait3A_112 : memref<10240x128xf32, #tpu.memory_space<vmem_shared>>)
      tpu.yield
    }) : () -> ()
    %dma_wait3A_88 = arith.constant 0 : i32
    %dma_wait3A_89 = arith.constant 0 : i32
    %dma_wait3A_90 = tpu.memref_slice %arg2[%dma_wait3A_88, %dma_wait3A_89] : memref<10000x128xf32, #tpu.memory_space<hbm>> -> memref<128x128xf32, #tpu.memory_space<hbm>>
    %dma_wait3A_91 = arith.constant 0 : i32
    %dma_wait3A_92 = arith.constant 0 : i32
    %dma_wait3A_93 = tpu.memref_slice %arg2[%dma_wait3A_91, %dma_wait3A_92] : memref<10000x128xf32, #tpu.memory_space<hbm>> -> memref<128x128xf32, #tpu.memory_space<hbm>>
    tpu.wait_dma2 semaphore(%arg11 : memref<!tpu.dma_semaphore, #tpu.memory_space<semaphore_mem>>) src(%dma_wait3A_93 : memref<128x128xf32, #tpu.memory_space<hbm>>) dst(%arg9 : memref<128x128xf32, #tpu.memory_space<vmem>>)
    %run_scoped3A_94 = arith.constant 39 : i32
    "tpu.region"() ({
      %run_scoped3A_100 = tpu.sem_alloc : memref<!tpu.dma_semaphore, #tpu.memory_space<semaphore_mem>>
      %dma_start3A_101 = arith.constant 0 : i32
      %dma_start3A_102 = tpu.memref_slice %arg7[%run_scoped3A_94, %dma_start3A_101] : memref<40x128xi32, #tpu.memory_space<vmem>> -> memref<1x128xi32, #tpu.memory_space<vmem>>
      %dma_start3A_103 = tpu.memref_squeeze %dma_start3A_102 : memref<1x128xi32, #tpu.memory_space<vmem>> -> memref<128xi32, #tpu.memory_space<vmem>>
      %dma_start3A_104 = arith.constant 0 : i32
      %dma_start3A_105 = arith.constant 0 : i32
      %dma_start3A_106 = tpu.memref_slice %arg12[%dma_start3A_104, %dma_start3A_105] : memref<10240x128xf32, #tpu.memory_space<vmem_shared>> -> memref<10240x128xf32, #tpu.memory_space<vmem_shared>>
      tpu.enqueue_indirect_dma source(%arg9 : memref<128x128xf32, #tpu.memory_space<vmem>>) target(%dma_start3A_106 : memref<10240x128xf32, #tpu.memory_space<vmem_shared>>) offsets(%dma_start3A_103 : memref<128xi32, #tpu.memory_space<vmem>>) semaphore(%run_scoped3A_100 : memref<!tpu.dma_semaphore, #tpu.memory_space<semaphore_mem>>) {add = true}
      %dma_wait3A_107 = arith.constant 0 : i32
      %dma_wait3A_108 = tpu.memref_slice %arg7[%run_scoped3A_94, %dma_wait3A_107] : memref<40x128xi32, #tpu.memory_space<vmem>> -> memref<1x128xi32, #tpu.memory_space<vmem>>
      %dma_wait3A_109 = tpu.memref_squeeze %dma_wait3A_108 : memref<1x128xi32, #tpu.memory_space<vmem>> -> memref<128xi32, #tpu.memory_space<vmem>>
      %dma_wait3A_110 = arith.constant 0 : i32
      %dma_wait3A_111 = arith.constant 0 : i32
      %dma_wait3A_112 = tpu.memref_slice %arg12[%dma_wait3A_110, %dma_wait3A_111] : memref<10240x128xf32, #tpu.memory_space<vmem_shared>> -> memref<10240x128xf32, #tpu.memory_space<vmem_shared>>
      tpu.wait_indirect_dma semaphore(%run_scoped3A_100 : memref<!tpu.dma_semaphore, #tpu.memory_space<semaphore_mem>>) src(%arg9 : memref<128x128xf32, #tpu.memory_space<vmem>>) dst(%dma_wait3A_112 : memref<10240x128xf32, #tpu.memory_space<vmem_shared>>)
      tpu.yield
    }) : () -> ()
    %barrier3A_95 = arith.constant 0 : index
    tpu.barrier barrier_id(%barrier3A_95)
    "tpu.trace_stop"() : () -> ()
    "tpu.trace_start"() <{level = 10 : i32, message = "writeout"}> : () -> ()
    %mul3A_96 = arith.constant 624 : i32
    %mul3A_97 = arith.muli %arg1, %mul3A_96 : i32
    "tpu.region"() ({
      %run_scoped3A_100 = tpu.sem_alloc : memref<!tpu.dma_semaphore, #tpu.memory_space<semaphore_mem>>
      %dma_start3A_101 = arith.constant 0 : i32
      %dma_start3A_102 = tpu.memref_slice %arg5[%arg0, %mul3A_97, %dma_start3A_101] : memref<2x10000x128xf32, #tpu.memory_space<hbm>> -> memref<1x624x128xf32, #tpu.memory_space<hbm>>
      %dma_start3A_103 = tpu.memref_squeeze %dma_start3A_102 : memref<1x624x128xf32, #tpu.memory_space<hbm>> -> memref<624x128xf32, #tpu.memory_space<hbm>>
      %dma_start3A_104 = arith.constant 0 : i32
      %dma_start3A_105 = tpu.memref_slice %arg12[%mul3A_97, %dma_start3A_104] : memref<10240x128xf32, #tpu.memory_space<vmem_shared>> -> memref<624x128xf32, #tpu.memory_space<vmem_shared>>
      tpu.enqueue_dma source(%dma_start3A_105 : memref<624x128xf32, #tpu.memory_space<vmem_shared>>) target(%dma_start3A_103 : memref<624x128xf32, #tpu.memory_space<hbm>>) target_semaphore(%run_scoped3A_100 : memref<!tpu.dma_semaphore, #tpu.memory_space<semaphore_mem>>)
      %dma_wait3A_106 = arith.constant 0 : i32
      %dma_wait3A_107 = tpu.memref_slice %arg5[%arg0, %mul3A_97, %dma_wait3A_106] : memref<2x10000x128xf32, #tpu.memory_space<hbm>> -> memref<1x624x128xf32, #tpu.memory_space<hbm>>
      %dma_wait3A_108 = tpu.memref_squeeze %dma_wait3A_107 : memref<1x624x128xf32, #tpu.memory_space<hbm>> -> memref<624x128xf32, #tpu.memory_space<hbm>>
      %dma_wait3A_109 = arith.constant 0 : i32
      %dma_wait3A_110 = tpu.memref_slice %arg12[%mul3A_97, %dma_wait3A_109] : memref<10240x128xf32, #tpu.memory_space<vmem_shared>> -> memref<624x128xf32, #tpu.memory_space<vmem_shared>>
      tpu.wait_dma2 semaphore(%run_scoped3A_100 : memref<!tpu.dma_semaphore, #tpu.memory_space<semaphore_mem>>) src(%dma_wait3A_110 : memref<624x128xf32, #tpu.memory_space<vmem_shared>>) dst(%dma_wait3A_108 : memref<624x128xf32, #tpu.memory_space<hbm>>)
      tpu.yield
    }) : () -> ()
    %eq3A = arith.constant 15 : i32
    %eq3A_98 = arith.cmpi eq, %arg1, %eq3A : i32
    %convert_element_type3A = arith.extui %eq3A_98 : i1 to i32
    %cond3A = arith.constant 0 : i32
    %cond3A_99 = arith.cmpi ne, %convert_element_type3A, %cond3A : i32
    scf.if %cond3A_99 {
      "tpu.region"() ({
        %run_scoped3A_100 = tpu.sem_alloc : memref<!tpu.dma_semaphore, #tpu.memory_space<semaphore_mem>>
        %dma_start3A_101 = arith.constant 9984 : i32
        %dma_start3A_102 = arith.constant 0 : i32
        %dma_start3A_103 = tpu.memref_slice %arg5[%arg0, %dma_start3A_101, %dma_start3A_102] : memref<2x10000x128xf32, #tpu.memory_space<hbm>> -> memref<1x16x128xf32, #tpu.memory_space<hbm>>
        %dma_start3A_104 = tpu.memref_squeeze %dma_start3A_103 : memref<1x16x128xf32, #tpu.memory_space<hbm>> -> memref<16x128xf32, #tpu.memory_space<hbm>>
        %dma_start3A_105 = arith.constant 9984 : i32
        %dma_start3A_106 = arith.constant 0 : i32
        %dma_start3A_107 = tpu.memref_slice %arg12[%dma_start3A_105, %dma_start3A_106] : memref<10240x128xf32, #tpu.memory_space<vmem_shared>> -> memref<16x128xf32, #tpu.memory_space<vmem_shared>>
        tpu.enqueue_dma source(%dma_start3A_107 : memref<16x128xf32, #tpu.memory_space<vmem_shared>>) target(%dma_start3A_104 : memref<16x128xf32, #tpu.memory_space<hbm>>) target_semaphore(%run_scoped3A_100 : memref<!tpu.dma_semaphore, #tpu.memory_space<semaphore_mem>>)
        %dma_wait3A_108 = arith.constant 9984 : i32
        %dma_wait3A_109 = arith.constant 0 : i32
        %dma_wait3A_110 = tpu.memref_slice %arg5[%arg0, %dma_wait3A_108, %dma_wait3A_109] : memref<2x10000x128xf32, #tpu.memory_space<hbm>> -> memref<1x16x128xf32, #tpu.memory_space<hbm>>
        %dma_wait3A_111 = tpu.memref_squeeze %dma_wait3A_110 : memref<1x16x128xf32, #tpu.memory_space<hbm>> -> memref<16x128xf32, #tpu.memory_space<hbm>>
        %dma_wait3A_112 = arith.constant 9984 : i32
        %dma_wait3A_113 = arith.constant 0 : i32
        %dma_wait3A_114 = tpu.memref_slice %arg12[%dma_wait3A_112, %dma_wait3A_113] : memref<10240x128xf32, #tpu.memory_space<vmem_shared>> -> memref<16x128xf32, #tpu.memory_space<vmem_shared>>
        tpu.wait_dma2 semaphore(%run_scoped3A_100 : memref<!tpu.dma_semaphore, #tpu.memory_space<semaphore_mem>>) src(%dma_wait3A_114 : memref<16x128xf32, #tpu.memory_space<vmem_shared>>) dst(%dma_wait3A_111 : memref<16x128xf32, #tpu.memory_space<hbm>>)
        tpu.yield
      }) : () -> ()
    } else {
    }
    "tpu.trace_stop"() : () -> ()
    return
  }
}

module attributes {stable_mosaic.version = 14 : i64} {
  func.func @body(%arg0: i32, %arg1: memref<2000x128xf32, #tpu.memory_space<vmem>>, %arg2: memref<128x128xf32, #tpu.memory_space<vmem>>, %arg3: memref<2000x128xf32, #tpu.memory_space<vmem>>) attributes {dimension_semantics = [#tpu.dimension_semantics<arbitrary>], iteration_bounds = array<i64: 5>, scalar_prefetch = 0 : i64, scratch_operands = 0 : i64, tpu.core_type = #tpu.core_type<tc>, window_params = [{transform_indices = @transform_0, window_bounds = array<i64: 2000, 128>}, {pipeline_mode = #tpu.pipeline_mode<synchronous>, transform_indices = @transform_1, window_bounds = array<i64: 128, 128>}, {transform_indices = @transform_2, window_bounds = array<i64: 2000, 128>}]} {
    %get3A = arith.constant 0 : index
    %get3A_0 = arith.constant 0 : index
    %get3A_1 = vector.load %arg1[%get3A, %get3A_0] : memref<2000x128xf32, #tpu.memory_space<vmem>>, vector<2000x128xf32>
    %get3A_2 = arith.constant 0 : index
    %get3A_3 = arith.constant 0 : index
    %get3A_4 = vector.load %arg2[%get3A_2, %get3A_3] : memref<128x128xf32, #tpu.memory_space<vmem>>, vector<128x128xf32>
    %dot_general3A = arith.constant dense<0.000000e+00> : vector<2000x128xf32>
    %dot_general3A_5 = tpu.matmul %get3A_1, %get3A_4, %dot_general3A {dimension_numbers = #tpu.dot_dimension_numbers<[1], [0], [0], [1], [0, 0, 1, 1], [], []>, transpose_lhs_hint = false} : vector<2000x128xf32>, vector<128x128xf32>, vector<2000x128xf32> -> vector<2000x128xf32>
    %swap3A = arith.constant 0 : index
    %swap3A_6 = arith.constant 0 : index
    %swap3A_7 = vector.load %arg3[%swap3A, %swap3A_6] : memref<2000x128xf32, #tpu.memory_space<vmem>>, vector<2000x128xf32>
    tpu.vector_store %arg3[%swap3A, %swap3A_6], %dot_general3A_5 {strides = array<i32>} : memref<2000x128xf32, #tpu.memory_space<vmem>>, vector<2000x128xf32>,
    return
  }
  func.func @transform_0(%arg0: i32) -> (i32, i32) {
    %c0_i32 = arith.constant 0 : i32
    %c0_i32_0 = arith.constant 0 : i32
    return %arg0, %c0_i32 : i32, i32
  }
  func.func @transform_1(%arg0: i32) -> (i32, i32) {
    %c0_i32 = arith.constant 0 : i32
    %c0_i32_0 = arith.constant 0 : i32
    %c0_i32_1 = arith.constant 0 : i32
    return %c0_i32, %c0_i32_0 : i32, i32
  }
  func.func @transform_2(%arg0: i32) -> (i32, i32) {
    %c0_i32 = arith.constant 0 : i32
    %c0_i32_0 = arith.constant 0 : i32
    return %arg0, %c0_i32 : i32, i32
  }
}

module attributes {stable_mosaic.version = 14 : i64} {
  func.func @body(%arg0: i32, %arg1: memref<2x2000x128xf32, #tpu.memory_space<vmem>>, %arg2: memref<2000x128xf32, #tpu.memory_space<vmem>>, %arg3: memref<128x128xf32, #tpu.memory_space<vmem>>, %arg4: memref<2000x128xf32, #tpu.memory_space<vmem>>) attributes {dimension_semantics = [#tpu.dimension_semantics<arbitrary>], iteration_bounds = array<i64: 5>, scalar_prefetch = 0 : i64, scratch_operands = 0 : i64, tpu.core_type = #tpu.core_type<tc>, window_params = [{transform_indices = @transform_0, window_bounds = array<i64: 2, 2000, 128>}, {transform_indices = @transform_1, window_bounds = array<i64: 2000, 128>}, {pipeline_mode = #tpu.pipeline_mode<synchronous>, transform_indices = @transform_2, window_bounds = array<i64: 128, 128>}, {transform_indices = @transform_3, window_bounds = array<i64: 2000, 128>}]} {
    %get3A = arith.constant 0 : index
    %get3A_0 = arith.constant 0 : index
    %get3A_1 = arith.constant 0 : index
    %get3A_2 = vector.load %arg1[%get3A, %get3A_0, %get3A_1] : memref<2x2000x128xf32, #tpu.memory_space<vmem>>, vector<1x2000x128xf32>
    %get3A_3 = vector.shape_cast %get3A_2 : vector<1x2000x128xf32> to vector<2000x128xf32>
    %get3A_4 = arith.constant 1 : index
    %get3A_5 = arith.constant 0 : index
    %get3A_6 = arith.constant 0 : index
    %get3A_7 = vector.load %arg1[%get3A_4, %get3A_5, %get3A_6] : memref<2x2000x128xf32, #tpu.memory_space<vmem>>, vector<1x2000x128xf32>
    %get3A_8 = vector.shape_cast %get3A_7 : vector<1x2000x128xf32> to vector<2000x128xf32>
    %add3A = arith.addf %get3A_3, %get3A_8 : vector<2000x128xf32>
    %get3A_9 = arith.constant 0 : index
    %get3A_10 = arith.constant 0 : index
    %get3A_11 = vector.load %arg3[%get3A_9, %get3A_10] : memref<128x128xf32, #tpu.memory_space<vmem>>, vector<128x128xf32>
    %dot_general3A = arith.constant dense<0.000000e+00> : vector<2000x128xf32>
    %dot_general3A_12 = tpu.matmul %add3A, %get3A_11, %dot_general3A {dimension_numbers = #tpu.dot_dimension_numbers<[1], [0], [0], [1], [0, 0, 1, 1], [], []>, transpose_lhs_hint = false} : vector<2000x128xf32>, vector<128x128xf32>, vector<2000x128xf32> -> vector<2000x128xf32>
    %get3A_13 = arith.constant 0 : index
    %get3A_14 = arith.constant 0 : index
    %get3A_15 = vector.load %arg2[%get3A_13, %get3A_14] : memref<2000x128xf32, #tpu.memory_space<vmem>>, vector<2000x128xf32>
    %add3A_16 = arith.addf %dot_general3A_12, %get3A_15 : vector<2000x128xf32>
    %swap3A = arith.constant 0 : index
    %swap3A_17 = arith.constant 0 : index
    %swap3A_18 = vector.load %arg4[%swap3A, %swap3A_17] : memref<2000x128xf32, #tpu.memory_space<vmem>>, vector<2000x128xf32>
    tpu.vector_store %arg4[%swap3A, %swap3A_17], %add3A_16 {strides = array<i32>} : memref<2000x128xf32, #tpu.memory_space<vmem>>, vector<2000x128xf32>,
    return
  }
  func.func @transform_0(%arg0: i32) -> (i32, i32, i32) {
    %c0_i32 = arith.constant 0 : i32
    %c0_i32_0 = arith.constant 0 : i32
    %c0_i32_1 = arith.constant 0 : i32
    return %c0_i32, %arg0, %c0_i32_0 : i32, i32, i32
  }
  func.func @transform_1(%arg0: i32) -> (i32, i32) {
    %c0_i32 = arith.constant 0 : i32
    %c0_i32_0 = arith.constant 0 : i32
    return %arg0, %c0_i32 : i32, i32
  }
  func.func @transform_2(%arg0: i32) -> (i32, i32) {
    %c0_i32 = arith.constant 0 : i32
    %c0_i32_0 = arith.constant 0 : i32
    %c0_i32_1 = arith.constant 0 : i32
    return %c0_i32, %c0_i32_0 : i32, i32
  }
  func.func @transform_3(%arg0: i32) -> (i32, i32) {
    %c0_i32 = arith.constant 0 : i32
    %c0_i32_0 = arith.constant 0 : i32
    return %arg0, %c0_i32 : i32, i32
  }
}

</mosaic_0001>

<sc_bundles>
// kernel: kernel.5.cloned.1.call-start
scs
__scs_entry_jumppad:
0x0: {  	(pc) =	sbr.rel $0x88, $3  }
0x1: {  	(tag) =	ssettag $0x0;
	lr =	simm.s32 $0x1  }
0x2: {  	[smem:$0x3F9D] =	sst lr;
	_ =	strace $0xD0000000  }
0x3: {  	_ = 	snop  }
0x4: {  	_ = 	snop  }
0x5: {  	_ = 	snop  }
0x6: {  	_ = 	snop  }
0x7: {  	_ = 	snop  }
__scs_overlays_trampoline_lowered:
0x8: {  	[smem:$0x3FAC] =	sst s0  }
0x9: {  	[smem:$0x3FAD] =	sst s1  }
0xa: {  	[smem:$0x3FAE] =	sst s2  }
0xb: {  	[smem:$0x3FAF] =	sst s3  }
0xc: {  	[smem:$0x3FB0] =	sst s4  }
0xd: {  	[smem:$0x3FB1] =	sst s5  }
0xe: {  	[smem:$0x3FB2] =	sst s6  }
0xf: {  	[smem:$0x3FB3] =	sst s7  }
0x10: {  	[smem:$0x3FB4] =	sst s8  }
0x11: {  	[smem:$0x3FB5] =	sst s9;
	s0 =	simm.s32 @!p0 $0x0  }
0x12: {  	s1 =	sld [smem:$0x3F9B];
	s0 =	simm.s32 @p0 $0x1  }
0x13: {  	[smem:$0x3FB6] =	sst s0;
	s0 =	simm.s32 @!p1 $0x0  }
0x14: {  	s2 =	sld [smem:$0x3F9A];
	s0 =	simm.s32 @p1 $0x1  }
0x15: {  	[smem:$0x3FB7] =	sst s0;
	s0 =	simm.s32 @!p2 $0x0  }
0x16: {  	s3 =	sld [smem:$0x3FDB];
	s0 =	simm.s32 @p2 $0x1  }
0x17: {  	s4 =	simm.s32 $0x1BF5;
	[smem:$0x3FB9] =	sst s0  }
0x18: {  	s0 =	sld [smem:$0x3F9C];
	_ =	swait.ge [sflag:s4], $0x0  }
0x19: {  	s7 =	sld [smem:$0x3F9D]  }
0x1a: {  	s8 =	sadd.s32 $0xFFFFE003, lr  }
0x1b: {  	s9 =	sadd.s32 $0xFFFFFEF7, lr;
	s5 =	simm.s32 $0xFFFFFFFF;
	p2 =	slt.u32 s8, $0xFFFFF086  }
0x1c: {  	p1 =	slt.u32 s9, $0xF7A;
	s5 =	simm.s32 @!p2 $0x0  }
0x1d: {  	s5 =	simm.s32 @p1 $0x1;
	p0 =	seq.s32 s7, s2  }
0x1e: {  	s7 =	smul.u32 @!p0 $0xF7A, s2;
	p2 =	seq.s32 @!p0 s5, $0x0  }
0x1f: {  	s9 =	smul.u32 $0xF7A, s1;
	s8 =	simm.s32 @!p0 $0x1BF5;
	p2 =	por !p2, p0  }
0x20: {  	[sflag:s8] =	ssyncset.s32 @!p0 $0xFFFFF086;
	s6 =	sadd.s32 @!p0 s3, s7;
	s7 =	simm.s32 @!p0 $0x108  }
0x21: {  	s3 =	sadd.s32 s3, s9;
	s6 =	sadd.s32 @!p0 $0x88, s6;
	s7 =	simm.s32 @p2 $0x1082  }
0x22: {  	[simem:s7], [sflag:s8] =	dma.local @!p0 [hbm:s6], $0xF7A  }
0x23: {  	s9 =	sor.u32 $0xD0000000, s2;
	s6 =	simm.s32 $0x108;
	_ =	swait.ge @!p0 [sflag:s8], $0x0  }
0x24: {  	s3 =	sadd.s32 $0x88, s3;
	s6 =	simm.s32 @!p1 $0x1082;
	[sflag:s4] =	ssyncset.s32 $0xFFFFF086  }
0x25: {  	[simem:s6], [sflag:s4] =	dma.local [hbm:s3], $0xF7A  }
0x26: {  	[smem:$0x3F9D] =	sst s1;
	(tag) =	ssettag s2;
	_ =	strace s9  }
0x27: {  	s1 =	sld [smem:$0x3FAD]  }
0x28: {  	s2 =	sld [smem:$0x3FAE]  }
0x29: {  	s4 =	sld [smem:$0x3FB0]  }
0x2a: {  	p0 =	seq.s32 s5, $0x0;
	s5 =	sld [smem:$0x3FB1]  }
0x2b: {  	s6 =	sld [smem:$0x3FB2]  }
0x2c: {  	s7 =	sld [smem:$0x3FB3]  }
0x2d: {  	s3 =	simm.s32 $0x108;
	s8 =	sld [smem:$0x3FB4]  }
0x2e: {  	s3 =	simm.s32 @!p0 $0x1082;
	s9 =	sld [smem:$0x3FB5]  }
0x2f: {  	lr =	sadd.s32 s0, s3;
	s0 =	sld [smem:$0x3FAC]  }
0x30: {  	s3 =	sld [smem:$0x3FAF]  }
0x31: {  	[smem:$0x3FB8] =	sst s10  }
0x32: {  	s10 =	sld [smem:$0x3FB6];
	_ =	sdelay $0x3  }
0x33: {  	p0 =	seq.s32 s10, $0x1;
	s10 =	sld [smem:$0x3FB8];
	_ =	sdelay $0x3  }
0x34: {  	[smem:$0x3FB8] =	sst s10  }
0x35: {  	s10 =	sld [smem:$0x3FB7];
	_ =	sdelay $0x3  }
0x36: {  	p1 =	seq.s32 s10, $0x1;
	s10 =	sld [smem:$0x3FB8];
	_ =	sdelay $0x3  }
0x37: {  	[smem:$0x3FB8] =	sst s10  }
0x38: {  	s10 =	sld [smem:$0x3FB9]  }
0x39: {  	_ = 	snop;
	(pc) =	sbr.ind lr, $3  }
0x3a: {  	_ = 	snop  }
0x3b: {  	_ = 	snop  }
0x3c: {  	p2 =	seq.s32 s10, $0x1;
	s10 =	sld [smem:$0x3FB8]  }
0x3d: {  	_ =	shalt  }
0x3e: {  	_ =	shalt  }
0x3f: {  	_ =	shalt  }
0x40: {  	_ =	shalt  }
0x41: {  	_ =	shalt  }
0x42: {  	_ =	shalt  }
0x43: {  	_ =	shalt  }
0x44: {  	_ =	shalt  }
0x45: {  	_ =	shalt  }
0x46: {  	_ =	shalt  }
0x47: {  	_ =	shalt  }
0x48: {  	_ =	shalt  }
0x49: {  	_ =	shalt  }
0x4a: {  	_ =	shalt  }
0x4b: {  	_ =	shalt  }
0x4c: {  	_ =	shalt  }
0x4d: {  	_ =	shalt  }
0x4e: {  	_ =	shalt  }
0x4f: {  	_ =	shalt  }
0x50: {  	_ =	shalt  }
0x51: {  	_ =	shalt  }
0x52: {  	_ =	shalt  }
0x53: {  	_ =	shalt  }
0x54: {  	_ =	shalt  }
0x55: {  	_ =	shalt  }
0x56: {  	_ =	shalt  }
0x57: {  	_ =	shalt  }
0x58: {  	_ =	shalt  }
0x59: {  	_ =	shalt  }
0x5a: {  	_ =	shalt  }
0x5b: {  	_ =	shalt  }
0x5c: {  	_ =	shalt  }
0x5d: {  	_ =	shalt  }
0x5e: {  	_ =	shalt  }
0x5f: {  	_ =	shalt  }
0x60: {  	_ =	shalt  }
0x61: {  	_ =	shalt  }
0x62: {  	_ =	shalt  }
0x63: {  	_ =	shalt  }
0x64: {  	_ =	shalt  }
0x65: {  	_ =	shalt  }
0x66: {  	_ =	shalt  }
0x67: {  	_ =	shalt  }
0x68: {  	_ =	shalt  }
0x69: {  	_ =	shalt  }
0x6a: {  	_ =	shalt  }
0x6b: {  	_ =	shalt  }
0x6c: {  	_ =	shalt  }
0x6d: {  	_ =	shalt  }
0x6e: {  	_ =	shalt  }
0x6f: {  	_ =	shalt  }
0x70: {  	_ =	shalt  }
0x71: {  	_ =	shalt  }
0x72: {  	_ =	shalt  }
0x73: {  	_ =	shalt  }
0x74: {  	_ =	shalt  }
0x75: {  	_ =	shalt  }
0x76: {  	_ =	shalt  }
0x77: {  	_ =	shalt  }
0x78: {  	_ =	shalt  }
0x79: {  	_ =	shalt  }
0x7a: {  	_ =	shalt  }
0x7b: {  	_ =	shalt  }
0x7c: {  	_ =	shalt  }
0x7d: {  	_ =	shalt  }
0x7e: {  	_ =	shalt  }
0x7f: {  	_ =	shalt  }
0x80: {  	_ =	shalt  }
0x81: {  	_ =	shalt  }
0x82: {  	_ =	shalt  }
0x83: {  	_ =	shalt  }
0x84: {  	_ =	shalt  }
0x85: {  	_ =	shalt  }
0x86: {  	_ =	shalt  }
0x87: {  	_ =	shalt  }
.Lfunc_end0:
.L_simem_size_0:
called_computation_lowered:
.L_overlay_start_0:
0x88: {  	s2 =	sld [smem:$0x3FD9]  }
0x89: {  	s3 =	sld [smem:$0x3FFE];
	_ =	sdelay $0x1  }
0x8a: {  	s1 =	srdreg.scid  }
0x8b: {  	s0 =	sand.u32 $0x1, s1  }
0x8c: {  	s17 =	sshll.u32 s0, $0xA;
	s2 =	sadd.s32 s3, s2  }
0x8d: {  	s2 =	sadd.s32 s2, s17  }
0x8e: {  	[smem:$0x3FC4] =	sst s2  }
0x8f: {  	_ = 	snop  }
0x90: {  	s2 =	sld [smem:$0x3FC9]  }
0x91: {  	s18 =	sld [smem:$0x3FD0];
	(tm) =	ssettm $0x1  }
0x92: {  	s4 =	sld [smem:$0x3FFB];
	_ =	sdelay $0x3  }
0x93: {  	_ =	strace s4  }
0x94: {  	s4 =	sld [smem:$0x3FFC];
	_ =	sdelay $0x3  }
0x95: {  	_ =	strace s4  }
0x96: {  	s4 =	sld [smem:$0x3FFD];
	_ =	sdelay $0x3  }
0x97: {  	_ =	strace s4  }
0x98: {  	_ =	strace $0x8FFFFFFF  }
0x99: {  	s19 =	sld [smem:$0x3FDB];
	_ =	sdelay $0x1  }
0x9a: {  	s5 =	simm.s32 $_scs_section_size  }
0x9b: {  	s6 =	simm.s32 $_size__tile_overlayer_lowered;
	s7 =	simm.s32 $_tile_overlayer_lowered  }
0x9c: {  	s22 =	simm.s32 $0x1BFF;
	s21 =	sshll.u32 s7, $0x1;
	s4 =	sadd.s32 s5, s19  }
0x9d: {  	s8 =	simm.s32 $0x0;
	s20 =	sshll.u32 s6, $0x1;
	s6 =	sadd.s32 s21, s4  }
0x9e: {  	[timem:s8], [sflag:s22] =	dma.local [hbm:s6], s20  }
0x9f: {  	_ =	swait.ge [sflag:s22], s20  }
0xa0: {  	s5 =	ssub.s32 $0x0, s20;
	[sflag:s22] =	ssyncset.done $0x0  }
0xa1: {  	[sflag:s22] =	ssyncadd.s32 s5;
	_ =	sdelay $0x1  }
0xa2: {  	s23 =	simm.s32 $0x1B8B  }
0xa3: {  	_ =	swait.ge [sflag:s23], $0x1  }
0xa4: {  	[sflag:s23] =	ssyncset.done $0x0  }
0xa5: {  	s25 =	simm.s32 $0x1B8E;
	s24 =	sld [smem:$0x3FFE];
	[sflag:s23] =	ssyncadd.s32 $0xFFFFFFFF  }
0xa6: {  	s26 =	simm.s32 $execute0_lowered;
	[smem:$0x3FD2] =	sst s25  }
0xa7: {  	s6 =	sshll.u32 s26, $0x1;
	_ =	strace $0x80000046;
	[dreg:$0x1] =	wrdreg $0xFFFFFFFF  }
0xa8: {  	s28 =	simm.s32 $_size_execute0_lowered;
	s4 =	sadd.s32 s4, s6;
	[dreg:$0x0] =	wrdreg $0x0  }
0xa9: {  	s6 =	sshll.u32 s28, $0x1;
	[dreg:$0x2] =	wrdreg s4  }
0xaa: {  	[dreg:$0x3] =	wrdreg s6  }
0xab: {  	[dreg:$0x4] =	wrdreg $0xC0  }
0xac: {  	_ =	task [dreg:s8], $0x5FFFF  }
0xad: {  	[dreg:$0x1] =	wrdreg $0xFFFFFFFF  }
0xae: {  	[dreg:$0x0] =	wrdreg $0x60  }
0xaf: {  	[dreg:$0x2] =	wrdreg s2  }
0xb0: {  	[dreg:$0x3] =	wrdreg s18  }
0xb1: {  	[dreg:$0x4] =	wrdreg s24  }
0xb2: {  	[dreg:$0x5] =	wrdreg $0xA8000  }
0xb3: {  	[dreg:$0x6] =	wrdreg $0x9  }
0xb4: {  	_ =	task.clear_ibuf [dreg:s8], $0x7FFFF;
	_ =	strace $0x90000046  }
0xb5: {  	s29 =	simm.s32 $0x9;
	_ =	strace $0x8000004A  }
0xb6: {  	_ =	swait.ge [sflag:s29], $0x1  }
0xb7: {  	[sflag:s29] =	ssyncadd.s32 $0xFFFFFFFF  }
0xb8: {  	_ =	strace $0x9000004A  }
0xb9: {  	_ =	sfence  }
0xba: {  	s30 =	sld [smem:$0x0];
	_ =	sdelay $0x2  }
0xbb: {  	s31 =	sshll.u32 s1, $0xD;
	s1 =	sshrl.u32 s1, $0x2  }
0xbc: {  	s3 =	sand.u32 $0x4000, s31;
	s1 =	sadd.s32 s1, s30  }
0xbd: {  	s0 =	sor.u32 s3, s0;
	s1 =	sshll.u32 s1, $0x11  }
0xbe: {  	s0 =	sor.u32 s1, s0  }
0xbf: {  	s0 =	sadd.s32 $0x8F2B, s0  }
0xc0: {  	[sflag:s0] =	ssyncadd.remote.s32 $0x1  }
0xc1: {  	_ =	sfence.sel $0xFFFF  }
0xc2: {  	[dreg:$0x0] =	wrdreg $0xFFFFFFFF;
	(pc) =	sbr.abs _section_cstart, $3  }
0xc3: {  	[dreg:$0x1] =	wrdreg $0xFFFFFFFF  }
0xc4: {  	_ =	task.clear_ibuf [dreg:s8], $0x2FFFF;
	_ =	strace $0x9FFFFFFF  }
0xc5: {  	(tm) =	ssettm $0x7FFFFFFF  }
tec
execute0_lowered:
.L_overlay_start_1:
0x0: {  	(tag) =	ssettag $0x1  }
0x1: {  	s1 =	rddreg [dreg:$0x0]  }
0x2: {  	s0 =	rddreg [dreg:$0x1]  }
0x3: {  	s3 =	rddreg [dreg:$0x2]  }
0x4: {  	s2 =	rddreg [dreg:$0x3]  }
0x5: {  	s4 =	srdreg.scid;
	s24 =	stileid.u32  }
0x6: {  	s18 =	simm.s32 $0x1400;
	s19 =	simm.s32 $0x80;
	s20 =	simm.s32 $0x2800  }
0x7: {  	s21 =	simm.s32 $0x6800;
	s28 =	simm.s32 $0x2700;
	s29 =	simm.s32 $0x2780  }
0x8: {  	s30 =	simm.s32 $0x0;
	s8 =	sand.u32 $0x1, s4;
	s7 =	smul.u32 $0x50000, s24  }
0x9: {  	s4 =	simm.s32 $0x0;
	s13 =	sadd.s32 $0xC00, s3;
	s15 =	smul.u32 $0x13800, s24  }
0xa: {  	s3 =	sadd.s32 $0xAC00, s3;
	s25 =	smul.u32 $0x4E000, s24;
	p0 =	sne.s32 s24, $0xF  }
0xb: {  	s5 =	sshll.u32 s8, $0x4;
	[smem:$0x7FF] =	sst s4;
	s6 =	ssub.s32 $0x2, s8  }
0xc: {  	s14 =	smul.u32 $0x138800, s8;
	s5 =	sor.u32 s24, s5;
	_ =	strace $0x80000047  }
0xd: {  	s9 =	sshrl.u32 s6, $0x1;
	s7 =	sshrl.u32 s7, $0x2;
	s31 =	sshrl.u32 s25, $0x2  }
0xe: {  	s5 =	smul.u32 $0x2800, s5;
	s16 =	ssub.s32 s6, s9;
	s7 =	sadd.s32 s7, s2  }
0xf: {  	s23 =	sadd.s32 s15, s14;
	s26 =	sshrl.u32 s14, $0x3;
	s8 =	sadd.s32 $0x4000, s7  }
0x10: {  	s9 =	sadd.s32 $0x8000, s7;
	s10 =	sadd.s32 $0xC000, s7;
	s12 =	sshrl.u32 s5, $0x3  }
0x11: {  	s11 =	sadd.s32 $0x10000, s7;
	s16 =	smax.u32 s16, $0x1;
	s5 =	sadd.s32 s0, s12  }
0x12: {  	s22 =	sadd.s32 s13, s12;
	s17 =	sadd.s32 $0x280, s12;
	[dreg:$0x5] =	wrdreg s5  }
0x13: {  	[dreg:$0x6] =	wrdreg s22;
	s12 =	sadd.s32 s0, s17;
	s13 =	sadd.s32 s13, s17  }
0x14: {  	s0 =	sshrl.u32 s23, $0x3;
	s17 =	simm.s32 $0x3;
	s22 =	simm.s32 $0x1  }
0x15: {  	s23 =	simm.s32 $0x2;
	s14 =	sadd.s32 s3, s0;
	s3 =	sadd.s32 s3, s26  }
0x16: {  	s0 =	sadd.s32 s31, s2;
	s15 =	sadd.s32 $0x27000, s3;
	s3 =	sadd.s32 $0x138000, s2  }
0x17: {  	v0 =	vimm.f32 $0.0e+00;
	s26 =	simm.s32 $0x1380;
	s24 =	sshrl.u32 s0, $0x3;
	s25 =	sshrl.u32 @!p0 s3, $0x3  }
.LBB2_1:
0x18: {  	_ =	strace $0x80000048  }
0x19: {  	s0 =	rddreg [dreg:$0x5]  }
0x1a: {  	[tilespmem:s4], [sflag:$0x3] =	stream.linear.gather [hbm4b:s0+s4], $0x1400, $0x200038;
	[tilespmem:$0x1E800] =	vst v63  }
0x1b: {  	_ =	swait.ge [sflag:s17], $0x1400  }
0x1c: {  	[sflag:s17] =	ssyncset.done $0x0  }
0x1d: {  	s5 =	rddreg [dreg:$0x6];
	[sflag:s17] =	ssyncadd.s32 $0xFFFFEC00  }
0x1e: {  	[tilespmem:s18], [sflag:$0x3] =	stream.linear.gather [hbm4b:s5+s4], $0x1400, $0x200038;
	[tilespmem:$0x1E800] =	vst v63  }
0x1f: {  	s6 =	sand.u32 $0xFE00, s4;
	s3 =	sand.u32 $0x70, s4;
	_ =	swait.ge [sflag:s17], $0x1400  }
0x20: {  	s31 =	simm.s32 $0x40;
	s0 =	sshrl.u32 s6, $0x2;
	[sflag:s17] =	ssyncset.done $0x0  }
0x21: {  	s3 =	sor.u32 s3, s0;
	s0 =	simm.s32 $0x0;
	[sflag:s17] =	ssyncadd.s32 $0xFFFFEC00  }
0x22: {  	[tilespmem:s20], [sflag:$0x1] =	stream.indirect.gather [hbm4b:s1+s19], $0x80, s4, s19, $0x2000b8;
	[tilespmem:$0x1E800] =	vst v63  }
.LBB2_2:
0x23: {  	p1 =	sne.s32 s31, $0xFFC0  }
0x24: {  	[tilespmem:s3+$0x6800] =	vst v0;
	s0 =	sadd.s32 $0x10, s0;
	s3 =	smov.u32 s31;
	s31 =	sadd.s32 $0x40, s31  }
.Ltmp0:
0x25: {  	(pc) =	sbr.rel @p1 .LBB2_2-.Ltmp0, $4  }
0x26: {  	_ = 	snop  }
0x27: {  	s3 =	sand.u32 $0xFE00, s3  }
0x28: {  	s5 =	sand.u32 $0x70, s0;
	s3 =	sshrl.u32 s3, $0x2  }
0x29: {  	s3 =	sor.u32 s5, s3  }
0x2a: {  	[tilespmem:s3+$0x6800] =	vst v0  }
0x2b: {  	[spmem:s7] =	stream.linear.scatter [tilespmem:s21], [sflag:$0x3], $0x4000, $0x200038;
	[tilespmem:$0x1E800] =	vst v63  }
0x2c: {  	_ =	swait.ge [sflag:s17], $0x4000  }
0x2d: {  	[sflag:s17] =	ssyncset.done $0x0  }
0x2e: {  	[sflag:s17] =	ssyncadd.s32 $0xFFFFC000  }
0x2f: {  	[spmem:s8] =	stream.linear.scatter [tilespmem:s21], [sflag:$0x3], $0x4000, $0x200038;
	[tilespmem:$0x1E800] =	vst v63  }
0x30: {  	_ =	swait.ge [sflag:s17], $0x4000  }
0x31: {  	[sflag:s17] =	ssyncset.done $0x0  }
0x32: {  	[sflag:s17] =	ssyncadd.s32 $0xFFFFC000  }
0x33: {  	[spmem:s9] =	stream.linear.scatter [tilespmem:s21], [sflag:$0x3], $0x4000, $0x200038;
	[tilespmem:$0x1E800] =	vst v63  }
0x34: {  	_ =	swait.ge [sflag:s17], $0x4000  }
0x35: {  	[sflag:s17] =	ssyncset.done $0x0  }
0x36: {  	[sflag:s17] =	ssyncadd.s32 $0xFFFFC000  }
0x37: {  	[spmem:s10] =	stream.linear.scatter [tilespmem:s21], [sflag:$0x3], $0x4000, $0x200038;
	[tilespmem:$0x1E800] =	vst v63  }
0x38: {  	_ =	swait.ge [sflag:s17], $0x4000  }
0x39: {  	[sflag:s17] =	ssyncset.done $0x0  }
0x3a: {  	[sflag:s17] =	ssyncadd.s32 $0xFFFFC000  }
0x3b: {  	[spmem:s11] =	stream.linear.scatter [tilespmem:s21], [sflag:$0x3], $0x4000, $0x200038;
	[tilespmem:$0x1E800] =	vst v63  }
0x3c: {  	_ =	swait.ge [sflag:s17], $0x4000  }
0x3d: {  	[sflag:s17] =	ssyncset.done $0x0  }
0x3e: {  	[sflag:s17] =	ssyncadd.s32 $0xFFFFC000  }
0x3f: {  	s0 =	simm.s32 $0x80;
	[bflag:$0x0] =	sbarrier.arrive $0xFFFF  }
0x40: {  	[tilespmem:s21], [sflag:$0x2] =	stream.indirect.gather [hbm4b:s1+s19], $0x80, s0, s19, $0x2000b8;
	[tilespmem:$0x1E800] =	vst v63  }
0x41: {  	_ =	swait.ge [sflag:s22], $0x4000  }
0x42: {  	[sflag:s22] =	ssyncset.done $0x0  }
0x43: {  	s3 =	simm.s32 $0x1400;
	[sflag:s22] =	ssyncadd.s32 $0xFFFFC000  }
0x44: {  	[spmem:s2] =	stream.indirect.scatter.add.f32 [tilespmem:s20], [sflag:$0x3], $0x80, s3, s19, $0x2000b8;
	[tilespmem:$0x1E800] =	vst v63  }
0x45: {  	_ =	swait.ge [sflag:s17], $0x4000  }
0x46: {  	[sflag:s17] =	ssyncset.done $0x0  }
0x47: {  	s5 =	simm.s32 $0x100;
	[sflag:s17] =	ssyncadd.s32 $0xFFFFC000  }
0x48: {  	[tilespmem:s20], [sflag:$0x1] =	stream.indirect.gather [hbm4b:s1+s19], $0x80, s5, s19, $0x2000b8;
	[tilespmem:$0x1E800] =	vst v63  }
0x49: {  	_ =	swait.ge [sflag:s23], $0x4000  }
0x4a: {  	[sflag:s23] =	ssyncset.done $0x0  }
0x4b: {  	s6 =	simm.s32 $0x1480;
	[sflag:s23] =	ssyncadd.s32 $0xFFFFC000  }
0x4c: {  	[spmem:s2] =	stream.indirect.scatter.add.f32 [tilespmem:s21], [sflag:$0x3], $0x80, s6, s19, $0x2000b8;
	[tilespmem:$0x1E800] =	vst v63  }
0x4d: {  	_ =	swait.ge [sflag:s17], $0x4000  }
0x4e: {  	s31 =	simm.s32 $0x100;
	s0 =	simm.s32 $0x800;
	[sflag:s17] =	ssyncset.done $0x0  }
.LBB2_4:
0x4f: {  	s3 =	sadd.s32 $0x80, s31  }
0x50: {  	[sflag:s17] =	ssyncadd.s32 $0xFFFFC000;
	s5 =	smov.u32 s0;
	s6 =	sadd.s32 $0x400, s0  }
0x51: {  	[tilespmem:s21], [sflag:$0x2] =	stream.indirect.gather [hbm4b:s1+s19], $0x80, s3, s19, $0x2000b8;
	[tilespmem:$0x1E800] =	vst v63  }
0x52: {  	p1 =	sne.s32 s0, $0x4800;
	_ =	swait.ge [sflag:s22], $0x4000  }
0x53: {  	[sflag:s22] =	ssyncset.done $0x0  }
0x54: {  	s0 =	sadd.s32 $0x1400, s31;
	[sflag:s22] =	ssyncadd.s32 $0xFFFFC000  }
0x55: {  	[spmem:s2] =	stream.indirect.scatter.add.f32 [tilespmem:s20], [sflag:$0x3], $0x80, s0, s19, $0x2000b8;
	[tilespmem:$0x1E800] =	vst v63  }
0x56: {  	_ =	swait.ge [sflag:s17], $0x4000  }
0x57: {  	[sflag:s17] =	ssyncset.done $0x0  }
0x58: {  	s0 =	sadd.s32 $0x100, s31;
	[sflag:s17] =	ssyncadd.s32 $0xFFFFC000  }
0x59: {  	[tilespmem:s20], [sflag:$0x1] =	stream.indirect.gather [hbm4b:s1+s19], $0x80, s0, s19, $0x2000b8;
	[tilespmem:$0x1E800] =	vst v63  }
0x5a: {  	_ =	swait.ge [sflag:s23], $0x4000  }
.Ltmp1:
0x5b: {  	[sflag:s23] =	ssyncset.done $0x0;
	(pc) =	sbr.rel @p1 .LBB2_4-.Ltmp1, $4  }
0x5c: {  	s0 =	sadd.s32 $0x1480, s31;
	[sflag:s23] =	ssyncadd.s32 $0xFFFFC000  }
0x5d: {  	[spmem:s2] =	stream.indirect.scatter.add.f32 [tilespmem:s21], [sflag:$0x3], $0x80, s0, s19, $0x2000b8;
	[tilespmem:$0x1E800] =	vst v63  }
0x5e: {  	_ =	swait.ge [sflag:s17], $0x4000  }
0x5f: {  	s31 =	sshra.s32 s5, $0x2;
	s0 =	smov.u32 s6;
	[sflag:s17] =	ssyncset.done $0x0  }
0x60: {  	s0 =	sadd.s32 $0x80, s31;
	[sflag:s17] =	ssyncadd.s32 $0xFFFFC000  }
0x61: {  	[tilespmem:s21], [sflag:$0x2] =	stream.indirect.gather [hbm4b:s1+s19], $0x80, s0, s19, $0x2000b8;
	[tilespmem:$0x1E800] =	vst v63  }
0x62: {  	_ =	swait.ge [sflag:s22], $0x4000  }
0x63: {  	[sflag:s22] =	ssyncset.done $0x0  }
0x64: {  	s5 =	sadd.s32 $0x1400, s31;
	[sflag:s22] =	ssyncadd.s32 $0xFFFFC000  }
0x65: {  	[spmem:s2] =	stream.indirect.scatter.add.f32 [tilespmem:s20], [sflag:$0x3], $0x80, s5, s19, $0x2000b8;
	[tilespmem:$0x1E800] =	vst v63  }
0x66: {  	_ =	swait.ge [sflag:s17], $0x4000  }
0x67: {  	[sflag:s17] =	ssyncset.done $0x0  }
0x68: {  	s6 =	sadd.s32 $0x100, s31;
	[sflag:s17] =	ssyncadd.s32 $0xFFFFC000  }
0x69: {  	[tilespmem:s20], [sflag:$0x1] =	stream.indirect.gather [hbm4b:s1+s19], $0x80, s6, s19, $0x2000b8;
	[tilespmem:$0x1E800] =	vst v63  }
0x6a: {  	_ =	swait.ge [sflag:s23], $0x4000  }
0x6b: {  	[sflag:s23] =	ssyncset.done $0x0  }
0x6c: {  	s3 =	sadd.s32 $0x1480, s31;
	[sflag:s23] =	ssyncadd.s32 $0xFFFFC000  }
0x6d: {  	[spmem:s2] =	stream.indirect.scatter.add.f32 [tilespmem:s21], [sflag:$0x3], $0x80, s3, s19, $0x2000b8;
	[tilespmem:$0x1E800] =	vst v63  }
0x6e: {  	_ =	swait.ge [sflag:s17], $0x4000  }
0x6f: {  	[sflag:s17] =	ssyncset.done $0x0  }
0x70: {  	[sflag:s17] =	ssyncadd.s32 $0xFFFFC000  }
0x71: {  	[tilespmem:s21], [sflag:$0x2] =	stream.indirect.gather [hbm4b:s1+s19], $0x80, s26, s19, $0x2000b8;
	[tilespmem:$0x1E800] =	vst v63  }
0x72: {  	_ =	swait.ge [sflag:s22], $0x4000  }
0x73: {  	[sflag:s22] =	ssyncset.done $0x0  }
0x74: {  	[sflag:s22] =	ssyncadd.s32 $0xFFFFC000  }
0x75: {  	[spmem:s2] =	stream.indirect.scatter.add.f32 [tilespmem:s20], [sflag:$0x3], $0x80, s28, s19, $0x2000b8;
	[tilespmem:$0x1E800] =	vst v63  }
0x76: {  	_ =	swait.ge [sflag:s17], $0x4000  }
0x77: {  	[sflag:s17] =	ssyncset.done $0x0  }
0x78: {  	[sflag:s17] =	ssyncadd.s32 $0xFFFFC000  }
0x79: {  	_ =	swait.ge [sflag:s23], $0x4000  }
0x7a: {  	[sflag:s23] =	ssyncset.done $0x0  }
0x7b: {  	[sflag:s23] =	ssyncadd.s32 $0xFFFFC000  }
0x7c: {  	[spmem:s2] =	stream.indirect.scatter.add.f32 [tilespmem:s21], [sflag:$0x3], $0x80, s29, s19, $0x2000b8;
	[tilespmem:$0x1E800] =	vst v63  }
0x7d: {  	_ =	swait.ge [sflag:s17], $0x4000  }
0x7e: {  	[sflag:s17] =	ssyncset.done $0x0  }
0x7f: {  	s5 =	simm.s32 $0x0;
	[sflag:s17] =	ssyncadd.s32 $0xFFFFC000  }
0x80: {  	[tilespmem:s5], [sflag:$0x3] =	stream.linear.gather [hbm4b:s12+s5], $0x1400, $0x200038;
	[tilespmem:$0x1E800] =	vst v63  }
0x81: {  	_ =	swait.ge [sflag:s17], $0x1400  }
0x82: {  	[sflag:s17] =	ssyncset.done $0x0  }
0x83: {  	[sflag:s17] =	ssyncadd.s32 $0xFFFFEC00  }
0x84: {  	[tilespmem:s18], [sflag:$0x3] =	stream.linear.gather [hbm4b:s13+s5], $0x1400, $0x200038;
	[tilespmem:$0x1E800] =	vst v63  }
0x85: {  	_ =	swait.ge [sflag:s17], $0x1400  }
0x86: {  	[sflag:s17] =	ssyncset.done $0x0  }
0x87: {  	[sflag:s17] =	ssyncadd.s32 $0xFFFFEC00  }
0x88: {  	[tilespmem:s20], [sflag:$0x1] =	stream.indirect.gather [hbm4b:s1+s19], $0x80, s5, s19, $0x2000b8;
	[tilespmem:$0x1E800] =	vst v63  }
0x89: {  	s6 =	simm.s32 $0x80  }
0x8a: {  	[tilespmem:s21], [sflag:$0x2] =	stream.indirect.gather [hbm4b:s1+s19], $0x80, s6, s19, $0x2000b8;
	[tilespmem:$0x1E800] =	vst v63  }
0x8b: {  	_ =	swait.ge [sflag:s22], $0x4000  }
0x8c: {  	[sflag:s22] =	ssyncset.done $0x0  }
0x8d: {  	s3 =	simm.s32 $0x1400;
	[sflag:s22] =	ssyncadd.s32 $0xFFFFC000  }
0x8e: {  	[spmem:s2] =	stream.indirect.scatter.add.f32 [tilespmem:s20], [sflag:$0x3], $0x80, s3, s19, $0x2000b8;
	[tilespmem:$0x1E800] =	vst v63  }
0x8f: {  	_ =	swait.ge [sflag:s17], $0x4000  }
0x90: {  	[sflag:s17] =	ssyncset.done $0x0  }
0x91: {  	s5 =	simm.s32 $0x100;
	[sflag:s17] =	ssyncadd.s32 $0xFFFFC000  }
0x92: {  	[tilespmem:s20], [sflag:$0x1] =	stream.indirect.gather [hbm4b:s1+s19], $0x80, s5, s19, $0x2000b8;
	[tilespmem:$0x1E800] =	vst v63  }
0x93: {  	_ =	swait.ge [sflag:s23], $0x4000  }
0x94: {  	[sflag:s23] =	ssyncset.done $0x0  }
0x95: {  	s6 =	simm.s32 $0x1480;
	[sflag:s23] =	ssyncadd.s32 $0xFFFFC000  }
0x96: {  	[spmem:s2] =	stream.indirect.scatter.add.f32 [tilespmem:s21], [sflag:$0x3], $0x80, s6, s19, $0x2000b8;
	[tilespmem:$0x1E800] =	vst v63  }
0x97: {  	_ =	swait.ge [sflag:s17], $0x4000  }
0x98: {  	s31 =	simm.s32 $0x100;
	s0 =	simm.s32 $0x800;
	[sflag:s17] =	ssyncset.done $0x0  }
.LBB2_6:
0x99: {  	s3 =	sadd.s32 $0x80, s31  }
0x9a: {  	[sflag:s17] =	ssyncadd.s32 $0xFFFFC000;
	s5 =	smov.u32 s0;
	s6 =	sadd.s32 $0x400, s0  }
0x9b: {  	[tilespmem:s21], [sflag:$0x2] =	stream.indirect.gather [hbm4b:s1+s19], $0x80, s3, s19, $0x2000b8;
	[tilespmem:$0x1E800] =	vst v63  }
0x9c: {  	p1 =	sne.s32 s0, $0x4800;
	_ =	swait.ge [sflag:s22], $0x4000  }
0x9d: {  	[sflag:s22] =	ssyncset.done $0x0  }
0x9e: {  	s0 =	sadd.s32 $0x1400, s31;
	[sflag:s22] =	ssyncadd.s32 $0xFFFFC000  }
0x9f: {  	[spmem:s2] =	stream.indirect.scatter.add.f32 [tilespmem:s20], [sflag:$0x3], $0x80, s0, s19, $0x2000b8;
	[tilespmem:$0x1E800] =	vst v63  }
0xa0: {  	_ =	swait.ge [sflag:s17], $0x4000  }
0xa1: {  	[sflag:s17] =	ssyncset.done $0x0  }
0xa2: {  	s0 =	sadd.s32 $0x100, s31;
	[sflag:s17] =	ssyncadd.s32 $0xFFFFC000  }
0xa3: {  	[tilespmem:s20], [sflag:$0x1] =	stream.indirect.gather [hbm4b:s1+s19], $0x80, s0, s19, $0x2000b8;
	[tilespmem:$0x1E800] =	vst v63  }
0xa4: {  	_ =	swait.ge [sflag:s23], $0x4000  }
.Ltmp2:
0xa5: {  	[sflag:s23] =	ssyncset.done $0x0;
	(pc) =	sbr.rel @p1 .LBB2_6-.Ltmp2, $4  }
0xa6: {  	s0 =	sadd.s32 $0x1480, s31;
	[sflag:s23] =	ssyncadd.s32 $0xFFFFC000  }
0xa7: {  	[spmem:s2] =	stream.indirect.scatter.add.f32 [tilespmem:s21], [sflag:$0x3], $0x80, s0, s19, $0x2000b8;
	[tilespmem:$0x1E800] =	vst v63  }
0xa8: {  	_ =	swait.ge [sflag:s17], $0x4000  }
0xa9: {  	s31 =	sshra.s32 s5, $0x2;
	s0 =	smov.u32 s6;
	[sflag:s17] =	ssyncset.done $0x0  }
0xaa: {  	s0 =	sadd.s32 $0x80, s31;
	[sflag:s17] =	ssyncadd.s32 $0xFFFFC000  }
0xab: {  	[tilespmem:s21], [sflag:$0x2] =	stream.indirect.gather [hbm4b:s1+s19], $0x80, s0, s19, $0x2000b8;
	[tilespmem:$0x1E800] =	vst v63  }
0xac: {  	_ =	swait.ge [sflag:s22], $0x4000  }
0xad: {  	[sflag:s22] =	ssyncset.done $0x0  }
0xae: {  	s3 =	sadd.s32 $0x1400, s31;
	[sflag:s22] =	ssyncadd.s32 $0xFFFFC000  }
0xaf: {  	[spmem:s2] =	stream.indirect.scatter.add.f32 [tilespmem:s20], [sflag:$0x3], $0x80, s3, s19, $0x2000b8;
	[tilespmem:$0x1E800] =	vst v63  }
0xb0: {  	_ =	swait.ge [sflag:s17], $0x4000  }
0xb1: {  	[sflag:s17] =	ssyncset.done $0x0  }
0xb2: {  	s5 =	sadd.s32 $0x100, s31;
	[sflag:s17] =	ssyncadd.s32 $0xFFFFC000  }
0xb3: {  	[tilespmem:s20], [sflag:$0x1] =	stream.indirect.gather [hbm4b:s1+s19], $0x80, s5, s19, $0x2000b8;
	[tilespmem:$0x1E800] =	vst v63  }
0xb4: {  	_ =	swait.ge [sflag:s23], $0x4000  }
0xb5: {  	[sflag:s23] =	ssyncset.done $0x0  }
0xb6: {  	s6 =	sadd.s32 $0x1480, s31;
	[sflag:s23] =	ssyncadd.s32 $0xFFFFC000  }
0xb7: {  	[spmem:s2] =	stream.indirect.scatter.add.f32 [tilespmem:s21], [sflag:$0x3], $0x80, s6, s19, $0x2000b8;
	[tilespmem:$0x1E800] =	vst v63  }
0xb8: {  	_ =	swait.ge [sflag:s17], $0x4000  }
0xb9: {  	[sflag:s17] =	ssyncset.done $0x0  }
0xba: {  	[sflag:s17] =	ssyncadd.s32 $0xFFFFC000  }
0xbb: {  	[tilespmem:s21], [sflag:$0x2] =	stream.indirect.gather [hbm4b:s1+s19], $0x80, s26, s19, $0x2000b8;
	[tilespmem:$0x1E800] =	vst v63  }
0xbc: {  	_ =	swait.ge [sflag:s22], $0x4000  }
0xbd: {  	[sflag:s22] =	ssyncset.done $0x0  }
0xbe: {  	[sflag:s22] =	ssyncadd.s32 $0xFFFFC000  }
0xbf: {  	[spmem:s2] =	stream.indirect.scatter.add.f32 [tilespmem:s20], [sflag:$0x3], $0x80, s28, s19, $0x2000b8;
	[tilespmem:$0x1E800] =	vst v63  }
0xc0: {  	_ =	swait.ge [sflag:s17], $0x4000  }
0xc1: {  	[sflag:s17] =	ssyncset.done $0x0  }
0xc2: {  	[sflag:s17] =	ssyncadd.s32 $0xFFFFC000  }
0xc3: {  	_ =	swait.ge [sflag:s23], $0x4000  }
0xc4: {  	[sflag:s23] =	ssyncset.done $0x0  }
0xc5: {  	[sflag:s23] =	ssyncadd.s32 $0xFFFFC000  }
0xc6: {  	[spmem:s2] =	stream.indirect.scatter.add.f32 [tilespmem:s21], [sflag:$0x3], $0x80, s29, s19, $0x2000b8;
	[tilespmem:$0x1E800] =	vst v63  }
0xc7: {  	_ =	swait.ge [sflag:s17], $0x4000  }
0xc8: {  	[sflag:s17] =	ssyncset.done $0x0  }
0xc9: {  	[sflag:s17] =	ssyncadd.s32 $0xFFFFC000  }
0xca: {  	s31 =	stileid.u32;
	[bflag:$0x0] =	sbarrier.arrive $0xFFFF  }
0xcb: {  	s0 =	sshll.u32 s31, $0x6;
	_ =	strace $0x90000048  }
0xcc: {  	s0 =	sor.u32 $0x1C03, s0;
	_ =	strace $0x80000049  }
0xcd: {  	[hbm:s14], [sflag:s0] =	dma.local [spmem:s24], $0x2700  }
0xce: {  	_ =	swait.ge [sflag:s17], $0x2700  }
0xcf: {  	s30 =	sadd.s32 $0x1, s30;
	[sflag:s17] =	ssyncset.done $0x0  }
0xd0: {  	p1 =	sne.s32 s30, s16;
	[sflag:s17] =	ssyncadd.s32 $0xFFFFD900  }
0xd1: {  	[hbm:s15], [sflag:s0] =	dma.local @!p0 [spmem:s25], $0x100  }
.Ltmp3:
0xd2: {  	s0 =	simm.s32 @!p0 $0x3;
	(pc) =	sbr.rel @p1 .LBB2_1-.Ltmp3, $4  }
0xd3: {  	_ =	swait.ge @!p0 [sflag:s0], $0x100  }
0xd4: {  	[sflag:s0] =	ssyncset.done @!p0 $0x0  }
0xd5: {  	[sflag:s0] =	ssyncadd.s32 @!p0 $0xFFFFFF00  }
0xd6: {  	_ =	strace $0x90000049  }
0xd7: {  	_ =	sfence.sel $0x180000  }
0xd8: {  	[bflag:$0x0] =	sbarrier.arrive $0xFFFF  }
0xd9: {  	_ =	strace $0x90000047  }
0xda: {  	s0 =	stileid.u32;
	[bflag:$0x2] =	sbarrier.arrive $0xFFFF  }
0xdb: {  	p0 =	sne.s32 s0, $0x0;
	s0 =	rddreg [dreg:$0x4]  }
0xdc: {  	s0 =	sadd.s32 @!p0 $0x100000, s0  }
0xdd: {  	[sflag:s0] =	ssyncadd.tile.s32 @!p0 $0x1;
	_ =	shalt  }
.Lfunc_end2:
_tile_overlayer_lowered:
.L_overlay_start_2:
0xde: {  	(tag) =	ssettag $0x2  }
0xdf: {  	s0 =	rddreg [dreg:$0x0];
	s2 =	stileid.u32  }
0xe0: {  	s1 =	rddreg [dreg:$0x1];
	p0 =	sne.s32 s2, $0x0  }
0xe1: {  	s3 =	rddreg [dreg:$0x2];
	[bflag:$0x3] =	sbarrier.arrive $0xFFFF;
	s2 =	simm.s32 @!p0 $0x1C03  }
0xe2: {  	[timem:s3], [sflag:s2] =	dma.local @!p0 [hbm:s0], s1  }
0xe3: {  	s0 =	simm.s32 @!p0 $0x3  }
0xe4: {  	_ =	swait.ge @!p0 [sflag:s0], s1  }
0xe5: {  	s1 =	ssub.s32 @!p0 $0x0, s1;
	[sflag:s0] =	ssyncset.done @!p0 $0x0  }
0xe6: {  	[sflag:s0] =	ssyncadd.s32 @!p0 s1  }
0xe7: {  	[bflag:$0x3] =	sbarrier.arrive $0xFFFF  }
0xe8: {  	_ =	shalt  }

</sc_bundles>
